<compile_context>
chip_gen: v7x
topology: tpu7x:2x2x1
jax: 0.10.2.dev20260603
libtpu: 0.0.44.dev20260713+nightly
codegen_flags: <defaults>
</compile_context>

<pallas_src>
import functools

import jax
import jax.numpy as jnp
from jax import lax
from jax.experimental import pallas as pl
from jax.experimental.pallas import tpu as pltpu
from jax.experimental.pallas import tpu_sc as plsc

N_NODES = 10000
N_EDGES = 320000
D_HALF = 72
WIDTH = 128

NUM_CORES = 2
NUM_SUBCORES = 16

CHUNK = 128
K_CHUNKS = 160
NBUF = 2
ROWS_PER_LOAD = N_NODES // NUM_SUBCORES
E_PAD = NUM_SUBCORES * K_CHUNKS * CHUNK
ROWS_PER_TILE = 640
N_ACC = NUM_SUBCORES * ROWS_PER_TILE
DUMMY_ROW = N_NODES


def _make_agg_kernel():
  mesh = plsc.VectorSubcoreMesh(
      core_axis_name="c", subcore_axis_name="s",
      num_cores=NUM_CORES, num_subcores=NUM_SUBCORES)

  @functools.partial(
      pl.kernel,
      out_type=jax.ShapeDtypeStruct((NUM_CORES, N_ACC, D_HALF), jnp.float32),
      mesh=mesh,
      scratch_types=[
          pltpu.VMEM((K_CHUNKS, CHUNK), jnp.int32),
          pltpu.VMEM((NBUF, CHUNK), jnp.int32),
          pltpu.VMEM((NBUF, CHUNK), jnp.int32),
          [pltpu.VMEM((CHUNK, D_HALF), jnp.float32) for _ in range(NBUF)],
          pltpu.VMEM_SHARED((N_NODES, D_HALF), jnp.float32),
          pltpu.VMEM_SHARED((N_ACC, D_HALF), jnp.float32),
          [pltpu.SemaphoreType.DMA for _ in range(NBUF)],
          [pltpu.SemaphoreType.DMA for _ in range(NBUF)],
      ],
      compiler_params=pltpu.CompilerParams(use_tc_tiling_on_sc=False),
  )
  def agg(x_hbm, posz_hbm, packed_hbm, zeros_hbm, out_hbm,
          packed_v, src_u, dst_u, bufs, table, accum, semg, sems):
    c = lax.axis_index("c")
    s = lax.axis_index("s")

    pltpu.sync_copy(packed_hbm.at[:, s], packed_v)

    rows = pl.ds(s * ROWS_PER_LOAD, ROWS_PER_LOAD)

    @pl.when(c == 0)
    def _():
      pltpu.sync_copy(x_hbm.at[rows, pl.ds(0, D_HALF)], table.at[rows])

    @pl.when(c == 1)
    def _():
      pltpu.sync_copy(x_hbm.at[rows, pl.ds(D_HALF, 128 - D_HALF)],
                      table.at[rows, pl.ds(0, 128 - D_HALF)])
      pltpu.sync_copy(posz_hbm.at[rows],
                      table.at[rows, pl.ds(128 - D_HALF, 8)])
      for k in range(ROWS_PER_LOAD // 125):
        pltpu.sync_copy(
            zeros_hbm.at[pl.ds(0, 125), pl.ds(0, 8)],
            table.at[pl.ds(s * ROWS_PER_LOAD + k * 125, 125), pl.ds(64, 8)])

    pltpu.sync_copy(zeros_hbm, bufs[0])
    for k in range(ROWS_PER_TILE // CHUNK):
      pltpu.sync_copy(
          bufs[0], accum.at[pl.ds(s * ROWS_PER_TILE + k * CHUNK, CHUNK)])
    plsc.subcore_barrier()

    def unpack(j, b):
      for k in range(CHUNK // 16):
        v = packed_v[j, pl.ds(16 * k, 16)]
        src_u[b, pl.ds(16 * k, 16)] = jax.lax.shift_right_logical(v, 16)
        dst_u[b, pl.ds(16 * k, 16)] = jax.lax.bitwise_and(v, 0xFFFF)

    def gather(j, b):
      return pltpu.make_async_copy(table.at[dst_u.at[b]], bufs[b], semg[b])

    def scatter(j, b):
      return pltpu.make_async_copy(bufs[b], accum.at[src_u.at[b]], sems[b])

    for b in range(NBUF):
      unpack(b, b)
      pltpu.async_copy(table.at[dst_u.at[b]], bufs[b], semg[b])

    def body(g, carry):
      j0 = g * NBUF
      for b in range(NBUF):
        gather(j0 + b, b).wait()
        pltpu.async_copy(bufs[b], accum.at[src_u.at[b]], sems[b], add=True)
      for b in range(NBUF):
        scatter(j0 + b, b).wait()
        unpack(j0 + NBUF + b, b)
        pltpu.async_copy(table.at[dst_u.at[b]], bufs[b], semg[b])
      return carry

    lax.fori_loop(0, K_CHUNKS // NBUF - 1, body, 0)
    j0 = K_CHUNKS - NBUF
    for b in range(NBUF):
      gather(j0 + b, b).wait()
      pltpu.async_copy(bufs[b], accum.at[src_u.at[b]], sems[b], add=True)
    for b in range(NBUF):
      scatter(j0 + b, b).wait()
    plsc.subcore_barrier()

    n_dump = ROWS_PER_TILE // CHUNK
    def rd(k, b):
      base = s * ROWS_PER_TILE + k * CHUNK
      return pltpu.make_async_copy(accum.at[pl.ds(base, CHUNK)], bufs[b],
                                   semg[b])
    def wr(k, b):
      base = s * ROWS_PER_TILE + k * CHUNK
      return pltpu.make_async_copy(bufs[b], out_hbm.at[c].at[pl.ds(base, CHUNK)],
                                   sems[b])
    for k in range(min(NBUF, n_dump)):
      rd(k, k).start()
    for k in range(n_dump):
      b = k % NBUF
      rd(k, b).wait()
      wr(k, b).start()
      if k + NBUF < n_dump:
        wr(k, b).wait()
        rd(k + NBUF, b).start()
    for k in range(max(0, n_dump - NBUF), n_dump):
      wr(k, k % NBUF).wait()

  return agg


def _mlp_body(p_hbm, w0a_ref, w0b_ref, b0_ref, w1_ref, b1_ref, w2_ref, b2_ref,
              o_ref, p_ref, sem):
  pltpu.async_copy(p_hbm, p_ref, sem).wait()
  sa = p_ref[0, :N_NODES]
  sb = p_ref[1, :N_NODES]
  sbr = sb[:, :60]
  nrm2 = (jnp.sum(sa * sa, axis=1, keepdims=True)
          + jnp.sum(sbr * sbr, axis=1, keepdims=True))
  inv = lax.rsqrt(nrm2)
  h = (jnp.dot(sa, w0a_ref[...], preferred_element_type=jnp.float32)
       + jnp.dot(sb, w0b_ref[...], preferred_element_type=jnp.float32))
  h = jnp.maximum(h * inv + b0_ref[...], 0.0)
  h = jnp.maximum(jnp.dot(h, w1_ref[...],
                          preferred_element_type=jnp.float32) + b1_ref[...], 0.0)
  r = jnp.dot(h, w2_ref[...], preferred_element_type=jnp.float32)
  o_ref[...] = (jnp.sum(r) / N_NODES + b2_ref[0, 0]).reshape(1, 1)


def _mlp(partials, W0a, W0b, b0, W1, b1, W2, b2):
  return pl.pallas_call(
      _mlp_body,
      out_shape=jax.ShapeDtypeStruct((1, 1), jnp.float32),
      in_specs=[pl.BlockSpec(memory_space=pl.ANY)] + [
          pl.BlockSpec(memory_space=pltpu.VMEM) for _ in range(7)],
      scratch_shapes=[
          pltpu.VMEM((NUM_CORES, N_ACC, D_HALF), jnp.float32),
          pltpu.SemaphoreType.DMA,
      ],
  )(partials, W0a, W0b, b0, W1, b1, W2, b2)


@jax.jit
def kernel(x, pos, z, edge_index, W0, b0, W1, b1, W2, b2):
  posz = jnp.concatenate(
      [pos, z[:, None], jnp.zeros((N_NODES, 4), jnp.float32)], axis=1)

  pad = E_PAD - N_EDGES
  pad_src = DUMMY_ROW + jnp.arange(pad, dtype=jnp.int32) % (N_ACC - DUMMY_ROW)
  pad_blk = jnp.stack([pad_src, jnp.zeros((pad,), jnp.int32)])
  edges = jnp.concatenate([edge_index.astype(jnp.int32), pad_blk], axis=1)
  packed = jnp.left_shift(edges[0], 16) | edges[1]
  packed = packed.reshape(K_CHUNKS, NUM_SUBCORES, CHUNK)
  zeros_blk = jnp.zeros((CHUNK, D_HALF), jnp.float32)

  partials = _make_agg_kernel()(x, posz, packed, zeros_blk)

  W0a = W0[:D_HALF]
  W0b = jnp.zeros((D_HALF, WIDTH), jnp.float32)
  W0b = W0b.at[:128 - D_HALF].set(W0[D_HALF:128])
  W0b = W0b.at[56:59].set(W0[128:131])
  W0b = W0b.at[59].set(W0[131])
  res = _mlp(partials, W0a, W0b, b0.reshape(1, WIDTH), W1, b1.reshape(1, WIDTH),
             W2, b2.reshape(1, 1))
  return res.reshape(1)

# --- scband reference (transcript-rebuilt; emitter-appended) ---
"""Pipeline reference for scband-gnn-old-45904610459951 (READ-ONLY COPY).

The authoritative reference and input builder live on the scoring server;
editing this copy changes nothing except your own understanding.
"""

import jax, jax.numpy as jnp
import numpy as np

N_NODES = 10000
N_EDGES = 320000
D_FEAT = 128
INPUT_DIM = D_FEAT + 3 + 1  # x, pos, z
WIDTH = 128


def setup_inputs(seed: int = 0) -> dict:
    key = jax.random.key(seed)
    ks = jax.random.split(key, 12)
    x = jax.random.normal(ks[0], (N_NODES, D_FEAT), dtype=jnp.float32)
    pos = jax.random.normal(ks[1], (N_NODES, 3), dtype=jnp.float32)
    z = jax.random.normal(ks[2], (N_NODES,), dtype=jnp.float32)
    edge_index = jax.random.randint(ks[3], (2, N_EDGES), 0, N_NODES, dtype=jnp.int64)
    # MLP params: Linear(input_dim, width) -> ReLU -> Linear(width, width) -> ReLU -> Linear(width, 1)
    s0 = 1.0 / np.sqrt(INPUT_DIM)
    s1 = 1.0 / np.sqrt(WIDTH)
    W0 = jax.random.uniform(ks[4], (INPUT_DIM, WIDTH), minval=-s0, maxval=s0, dtype=jnp.float32)
    b0 = jax.random.uniform(ks[5], (WIDTH,), minval=-s0, maxval=s0, dtype=jnp.float32)
    W1 = jax.random.uniform(ks[6], (WIDTH, WIDTH), minval=-s1, maxval=s1, dtype=jnp.float32)
    b1 = jax.random.uniform(ks[7], (WIDTH,), minval=-s1, maxval=s1, dtype=jnp.float32)
    W2 = jax.random.uniform(ks[8], (WIDTH, 1), minval=-s1, maxval=s1, dtype=jnp.float32)
    b2 = jax.random.uniform(ks[9], (1,), minval=-s1, maxval=s1, dtype=jnp.float32)
    return {"x": x, "pos": pos, "z": z, "edge_index": edge_index,
            "W0": W0, "b0": b0, "W1": W1, "b1": b1, "W2": W2, "b2": b2}


def _feat_mat_aggr_normed(features, edge_index):
    # vectorized equivalent of the per-node python loop:
    # for each node n: sum features of edge_index[1] where edge_index[0]==n, then L2-normalize
    src = edge_index[0]
    dst = edge_index[1]
    gathered = jnp.take(features, dst, axis=0)           # gather  [E, input_dim]
    sum_feats = jax.ops.segment_sum(gathered, src, num_segments=N_NODES)  # scatter-add [N, input_dim]
    nrm = jnp.linalg.norm(sum_feats, axis=1, keepdims=True)
    return sum_feats / nrm


def reference(x, pos, z, edge_index, W0, b0, W1, b1, W2, b2):
    features = jnp.hstack((x, pos, z[:, None]))          # [N, 132]
    h = _feat_mat_aggr_normed(features, edge_index).astype(jnp.float32)
    h = jax.nn.relu(h @ W0 + b0)
    h = jax.nn.relu(h @ W1 + b1)
    h = h @ W2 + b2                                       # [N, 1]
    return jnp.mean(h, axis=0)                            # [1]

if __name__ == "__main__":
    import jax
    _d = setup_inputs()
    print(jax.jit(kernel)(*tuple(_d.values())))

</pallas_src>

<mosaic_0001>
#map = affine_map<(d0, d1) -> (0, 0)>
#map1 = affine_map<(d0, d1) -> (0, 0, 0)>
module attributes {stable_mosaic.version = 14 : i64} {
  func.func @agg(%arg0: i32, %arg1: i32, %arg2: memref<10000x128xf32, #tpu.memory_space<hbm>>, %arg3: memref<10000x8xf32, #tpu.memory_space<hbm>>, %arg4: memref<160x16x128xi32, #tpu.memory_space<hbm>>, %arg5: memref<128x72xf32, #tpu.memory_space<hbm>>, %arg6: memref<2x10240x72xf32, #tpu.memory_space<hbm>>, %arg7: memref<160x128xi32, #tpu.memory_space<vmem>>, %arg8: memref<2x128xi32, #tpu.memory_space<vmem>>, %arg9: memref<2x128xi32, #tpu.memory_space<vmem>>, %arg10: memref<128x72xf32, #tpu.memory_space<vmem>>, %arg11: memref<128x72xf32, #tpu.memory_space<vmem>>, %arg12: memref<10000x72xf32, #tpu.memory_space<vmem_shared>>, %arg13: memref<10240x72xf32, #tpu.memory_space<vmem_shared>>, %arg14: memref<!tpu.dma_semaphore, #tpu.memory_space<semaphore_mem>>, %arg15: memref<!tpu.dma_semaphore, #tpu.memory_space<semaphore_mem>>, %arg16: memref<!tpu.dma_semaphore, #tpu.memory_space<semaphore_mem>>, %arg17: memref<!tpu.dma_semaphore, #tpu.memory_space<semaphore_mem>>) attributes {dimension_semantics = [#tpu.dimension_semantics<core_parallel>, #tpu.dimension_semantics<subcore_parallel>], iteration_bounds = array<i64: 2, 16>, scalar_prefetch = 0 : i64, scratch_operands = 11 : i64, tpu.core_type = #tpu.core_type<sc_vector_subcore>, window_params = [{transform_indices = #map}, {transform_indices = #map}, {transform_indices = #map1}, {transform_indices = #map}, {transform_indices = #map1}]} {
    "tpu.region"() ({
      %run_scoped3A = tpu.sem_alloc : memref<!tpu.dma_semaphore, #tpu.memory_space<semaphore_mem>>
      %dma_start3A_691 = arith.constant 0 : i32
      %dma_start3A_692 = arith.constant 0 : i32
      %dma_start3A_693 = tpu.memref_slice %arg4[%dma_start3A_691, %arg1, %dma_start3A_692] : memref<160x16x128xi32, #tpu.memory_space<hbm>> -> memref<160x1x128xi32, #tpu.memory_space<hbm>>
      %dma_start3A_694 = tpu.memref_squeeze %dma_start3A_693 : memref<160x1x128xi32, #tpu.memory_space<hbm>> -> memref<160x128xi32, #tpu.memory_space<hbm>>
      %dma_start3A_695 = arith.constant 0 : i32
      %dma_start3A_696 = arith.constant 0 : i32
      %dma_start3A_697 = tpu.memref_slice %arg4[%dma_start3A_695, %arg1, %dma_start3A_696] : memref<160x16x128xi32, #tpu.memory_space<hbm>> -> memref<160x1x128xi32, #tpu.memory_space<hbm>>
      %dma_start3A_698 = tpu.memref_squeeze %dma_start3A_697 : memref<160x1x128xi32, #tpu.memory_space<hbm>> -> memref<160x128xi32, #tpu.memory_space<hbm>>
      tpu.enqueue_dma source(%dma_start3A_698 : memref<160x128xi32, #tpu.memory_space<hbm>>) target(%arg7 : memref<160x128xi32, #tpu.memory_space<vmem>>) target_semaphore(%run_scoped3A : memref<!tpu.dma_semaphore, #tpu.memory_space<semaphore_mem>>)
      %dma_wait3A_699 = arith.constant 0 : i32
      %dma_wait3A_700 = arith.constant 0 : i32
      %dma_wait3A_701 = tpu.memref_slice %arg4[%dma_wait3A_699, %arg1, %dma_wait3A_700] : memref<160x16x128xi32, #tpu.memory_space<hbm>> -> memref<160x1x128xi32, #tpu.memory_space<hbm>>
      %dma_wait3A_702 = tpu.memref_squeeze %dma_wait3A_701 : memref<160x1x128xi32, #tpu.memory_space<hbm>> -> memref<160x128xi32, #tpu.memory_space<hbm>>
      %dma_wait3A_703 = arith.constant 0 : i32
      %dma_wait3A_704 = arith.constant 0 : i32
      %dma_wait3A_705 = tpu.memref_slice %arg4[%dma_wait3A_703, %arg1, %dma_wait3A_704] : memref<160x16x128xi32, #tpu.memory_space<hbm>> -> memref<160x1x128xi32, #tpu.memory_space<hbm>>
      %dma_wait3A_706 = tpu.memref_squeeze %dma_wait3A_705 : memref<160x1x128xi32, #tpu.memory_space<hbm>> -> memref<160x128xi32, #tpu.memory_space<hbm>>
      tpu.wait_dma2 semaphore(%run_scoped3A : memref<!tpu.dma_semaphore, #tpu.memory_space<semaphore_mem>>) src(%dma_wait3A_706 : memref<160x128xi32, #tpu.memory_space<hbm>>) dst(%arg7 : memref<160x128xi32, #tpu.memory_space<vmem>>)
      tpu.yield
    }) : () -> ()
    %mul3A = arith.constant 625 : i32
    %mul3A_0 = arith.muli %arg1, %mul3A : i32
    %eq3A = arith.constant 0 : i32
    %eq3A_1 = arith.cmpi eq, %arg0, %eq3A : i32
    %convert_element_type3A = arith.extui %eq3A_1 : i1 to i32
    %cond3A = arith.constant 0 : i32
    %cond3A_2 = arith.cmpi ne, %convert_element_type3A, %cond3A : i32
    scf.if %cond3A_2 {
      "tpu.region"() ({
        %run_scoped3A = tpu.sem_alloc : memref<!tpu.dma_semaphore, #tpu.memory_space<semaphore_mem>>
        %dma_start3A_691 = arith.constant 0 : i32
        %dma_start3A_692 = tpu.memref_slice %arg12[%mul3A_0, %dma_start3A_691] : memref<10000x72xf32, #tpu.memory_space<vmem_shared>> -> memref<625x72xf32, #tpu.memory_space<vmem_shared>>
        %dma_start3A_693 = arith.constant 0 : i32
        %dma_start3A_694 = tpu.memref_slice %arg2[%mul3A_0, %dma_start3A_693] : memref<10000x128xf32, #tpu.memory_space<hbm>> -> memref<625x72xf32, #tpu.memory_space<hbm>>
        tpu.enqueue_dma source(%dma_start3A_694 : memref<625x72xf32, #tpu.memory_space<hbm>>) target(%dma_start3A_692 : memref<625x72xf32, #tpu.memory_space<vmem_shared>>) target_semaphore(%run_scoped3A : memref<!tpu.dma_semaphore, #tpu.memory_space<semaphore_mem>>)
        %dma_wait3A_695 = arith.constant 0 : i32
        %dma_wait3A_696 = tpu.memref_slice %arg12[%mul3A_0, %dma_wait3A_695] : memref<10000x72xf32, #tpu.memory_space<vmem_shared>> -> memref<625x72xf32, #tpu.memory_space<vmem_shared>>
        %dma_wait3A_697 = arith.constant 0 : i32
        %dma_wait3A_698 = tpu.memref_slice %arg2[%mul3A_0, %dma_wait3A_697] : memref<10000x128xf32, #tpu.memory_space<hbm>> -> memref<625x72xf32, #tpu.memory_space<hbm>>
        tpu.wait_dma2 semaphore(%run_scoped3A : memref<!tpu.dma_semaphore, #tpu.memory_space<semaphore_mem>>) src(%dma_wait3A_698 : memref<625x72xf32, #tpu.memory_space<hbm>>) dst(%dma_wait3A_696 : memref<625x72xf32, #tpu.memory_space<vmem_shared>>)
        tpu.yield
      }) : () -> ()
    } else {
    }
    %eq3A_3 = arith.constant 1 : i32
    %eq3A_4 = arith.cmpi eq, %arg0, %eq3A_3 : i32
    %convert_element_type3A_5 = arith.extui %eq3A_4 : i1 to i32
    %cond3A_6 = arith.constant 0 : i32
    %cond3A_7 = arith.cmpi ne, %convert_element_type3A_5, %cond3A_6 : i32
    scf.if %cond3A_7 {
      "tpu.region"() ({
        %run_scoped3A = tpu.sem_alloc : memref<!tpu.dma_semaphore, #tpu.memory_space<semaphore_mem>>
        %dma_start3A_711 = arith.constant 0 : i32
        %dma_start3A_712 = tpu.memref_slice %arg12[%mul3A_0, %dma_start3A_711] : memref<10000x72xf32, #tpu.memory_space<vmem_shared>> -> memref<625x56xf32, #tpu.memory_space<vmem_shared>>
        %dma_start3A_713 = arith.constant 72 : i32
        %dma_start3A_714 = tpu.memref_slice %arg2[%mul3A_0, %dma_start3A_713] : memref<10000x128xf32, #tpu.memory_space<hbm>> -> memref<625x56xf32, #tpu.memory_space<hbm>>
        tpu.enqueue_dma source(%dma_start3A_714 : memref<625x56xf32, #tpu.memory_space<hbm>>) target(%dma_start3A_712 : memref<625x56xf32, #tpu.memory_space<vmem_shared>>) target_semaphore(%run_scoped3A : memref<!tpu.dma_semaphore, #tpu.memory_space<semaphore_mem>>)
        %dma_wait3A_715 = arith.constant 0 : i32
        %dma_wait3A_716 = tpu.memref_slice %arg12[%mul3A_0, %dma_wait3A_715] : memref<10000x72xf32, #tpu.memory_space<vmem_shared>> -> memref<625x56xf32, #tpu.memory_space<vmem_shared>>
        %dma_wait3A_717 = arith.constant 72 : i32
        %dma_wait3A_718 = tpu.memref_slice %arg2[%mul3A_0, %dma_wait3A_717] : memref<10000x128xf32, #tpu.memory_space<hbm>> -> memref<625x56xf32, #tpu.memory_space<hbm>>
        tpu.wait_dma2 semaphore(%run_scoped3A : memref<!tpu.dma_semaphore, #tpu.memory_space<semaphore_mem>>) src(%dma_wait3A_718 : memref<625x56xf32, #tpu.memory_space<hbm>>) dst(%dma_wait3A_716 : memref<625x56xf32, #tpu.memory_space<vmem_shared>>)
        tpu.yield
      }) : () -> ()
      "tpu.region"() ({
        %run_scoped3A = tpu.sem_alloc : memref<!tpu.dma_semaphore, #tpu.memory_space<semaphore_mem>>
        %dma_start3A_711 = arith.constant 56 : i32
        %dma_start3A_712 = tpu.memref_slice %arg12[%mul3A_0, %dma_start3A_711] : memref<10000x72xf32, #tpu.memory_space<vmem_shared>> -> memref<625x8xf32, #tpu.memory_space<vmem_shared>>
        %dma_start3A_713 = arith.constant 0 : i32
        %dma_start3A_714 = tpu.memref_slice %arg3[%mul3A_0, %dma_start3A_713] : memref<10000x8xf32, #tpu.memory_space<hbm>> -> memref<625x8xf32, #tpu.memory_space<hbm>>
        tpu.enqueue_dma source(%dma_start3A_714 : memref<625x8xf32, #tpu.memory_space<hbm>>) target(%dma_start3A_712 : memref<625x8xf32, #tpu.memory_space<vmem_shared>>) target_semaphore(%run_scoped3A : memref<!tpu.dma_semaphore, #tpu.memory_space<semaphore_mem>>)
        %dma_wait3A_715 = arith.constant 56 : i32
        %dma_wait3A_716 = tpu.memref_slice %arg12[%mul3A_0, %dma_wait3A_715] : memref<10000x72xf32, #tpu.memory_space<vmem_shared>> -> memref<625x8xf32, #tpu.memory_space<vmem_shared>>
        %dma_wait3A_717 = arith.constant 0 : i32
        %dma_wait3A_718 = tpu.memref_slice %arg3[%mul3A_0, %dma_wait3A_717] : memref<10000x8xf32, #tpu.memory_space<hbm>> -> memref<625x8xf32, #tpu.memory_space<hbm>>
        tpu.wait_dma2 semaphore(%run_scoped3A : memref<!tpu.dma_semaphore, #tpu.memory_space<semaphore_mem>>) src(%dma_wait3A_718 : memref<625x8xf32, #tpu.memory_space<hbm>>) dst(%dma_wait3A_716 : memref<625x8xf32, #tpu.memory_space<vmem_shared>>)
        tpu.yield
      }) : () -> ()
      %mul3A_691 = arith.constant 625 : i32
      %mul3A_692 = arith.muli %arg1, %mul3A_691 : i32
      %add3A_693 = arith.constant 0 : i32
      %add3A_694 = arith.addi %mul3A_692, %add3A_693 : i32
      "tpu.region"() ({
        %run_scoped3A = tpu.sem_alloc : memref<!tpu.dma_semaphore, #tpu.memory_space<semaphore_mem>>
        %dma_start3A_711 = arith.constant 64 : i32
        %dma_start3A_712 = tpu.memref_slice %arg12[%add3A_694, %dma_start3A_711] : memref<10000x72xf32, #tpu.memory_space<vmem_shared>> -> memref<125x8xf32, #tpu.memory_space<vmem_shared>>
        %dma_start3A_713 = arith.constant 0 : i32
        %dma_start3A_714 = arith.constant 0 : i32
        %dma_start3A_715 = tpu.memref_slice %arg5[%dma_start3A_713, %dma_start3A_714] : memref<128x72xf32, #tpu.memory_space<hbm>> -> memref<125x8xf32, #tpu.memory_space<hbm>>
        tpu.enqueue_dma source(%dma_start3A_715 : memref<125x8xf32, #tpu.memory_space<hbm>>) target(%dma_start3A_712 : memref<125x8xf32, #tpu.memory_space<vmem_shared>>) target_semaphore(%run_scoped3A : memref<!tpu.dma_semaphore, #tpu.memory_space<semaphore_mem>>)
        %dma_wait3A_716 = arith.constant 64 : i32
        %dma_wait3A_717 = tpu.memref_slice %arg12[%add3A_694, %dma_wait3A_716] : memref<10000x72xf32, #tpu.memory_space<vmem_shared>> -> memref<125x8xf32, #tpu.memory_space<vmem_shared>>
        %dma_wait3A_718 = arith.constant 0 : i32
        %dma_wait3A_719 = arith.constant 0 : i32
        %dma_wait3A_720 = tpu.memref_slice %arg5[%dma_wait3A_718, %dma_wait3A_719] : memref<128x72xf32, #tpu.memory_space<hbm>> -> memref<125x8xf32, #tpu.memory_space<hbm>>
        tpu.wait_dma2 semaphore(%run_scoped3A : memref<!tpu.dma_semaphore, #tpu.memory_space<semaphore_mem>>) src(%dma_wait3A_720 : memref<125x8xf32, #tpu.memory_space<hbm>>) dst(%dma_wait3A_717 : memref<125x8xf32, #tpu.memory_space<vmem_shared>>)
        tpu.yield
      }) : () -> ()
      %mul3A_695 = arith.constant 625 : i32
      %mul3A_696 = arith.muli %arg1, %mul3A_695 : i32
      %add3A_697 = arith.constant 125 : i32
      %add3A_698 = arith.addi %mul3A_696, %add3A_697 : i32
      "tpu.region"() ({
        %run_scoped3A = tpu.sem_alloc : memref<!tpu.dma_semaphore, #tpu.memory_space<semaphore_mem>>
        %dma_start3A_711 = arith.constant 64 : i32
        %dma_start3A_712 = tpu.memref_slice %arg12[%add3A_698, %dma_start3A_711] : memref<10000x72xf32, #tpu.memory_space<vmem_shared>> -> memref<125x8xf32, #tpu.memory_space<vmem_shared>>
        %dma_start3A_713 = arith.constant 0 : i32
        %dma_start3A_714 = arith.constant 0 : i32
        %dma_start3A_715 = tpu.memref_slice %arg5[%dma_start3A_713, %dma_start3A_714] : memref<128x72xf32, #tpu.memory_space<hbm>> -> memref<125x8xf32, #tpu.memory_space<hbm>>
        tpu.enqueue_dma source(%dma_start3A_715 : memref<125x8xf32, #tpu.memory_space<hbm>>) target(%dma_start3A_712 : memref<125x8xf32, #tpu.memory_space<vmem_shared>>) target_semaphore(%run_scoped3A : memref<!tpu.dma_semaphore, #tpu.memory_space<semaphore_mem>>)
        %dma_wait3A_716 = arith.constant 64 : i32
        %dma_wait3A_717 = tpu.memref_slice %arg12[%add3A_698, %dma_wait3A_716] : memref<10000x72xf32, #tpu.memory_space<vmem_shared>> -> memref<125x8xf32, #tpu.memory_space<vmem_shared>>
        %dma_wait3A_718 = arith.constant 0 : i32
        %dma_wait3A_719 = arith.constant 0 : i32
        %dma_wait3A_720 = tpu.memref_slice %arg5[%dma_wait3A_718, %dma_wait3A_719] : memref<128x72xf32, #tpu.memory_space<hbm>> -> memref<125x8xf32, #tpu.memory_space<hbm>>
        tpu.wait_dma2 semaphore(%run_scoped3A : memref<!tpu.dma_semaphore, #tpu.memory_space<semaphore_mem>>) src(%dma_wait3A_720 : memref<125x8xf32, #tpu.memory_space<hbm>>) dst(%dma_wait3A_717 : memref<125x8xf32, #tpu.memory_space<vmem_shared>>)
        tpu.yield
      }) : () -> ()
      %mul3A_699 = arith.constant 625 : i32
      %mul3A_700 = arith.muli %arg1, %mul3A_699 : i32
      %add3A_701 = arith.constant 250 : i32
      %add3A_702 = arith.addi %mul3A_700, %add3A_701 : i32
      "tpu.region"() ({
        %run_scoped3A = tpu.sem_alloc : memref<!tpu.dma_semaphore, #tpu.memory_space<semaphore_mem>>
        %dma_start3A_711 = arith.constant 64 : i32
        %dma_start3A_712 = tpu.memref_slice %arg12[%add3A_702, %dma_start3A_711] : memref<10000x72xf32, #tpu.memory_space<vmem_shared>> -> memref<125x8xf32, #tpu.memory_space<vmem_shared>>
        %dma_start3A_713 = arith.constant 0 : i32
        %dma_start3A_714 = arith.constant 0 : i32
        %dma_start3A_715 = tpu.memref_slice %arg5[%dma_start3A_713, %dma_start3A_714] : memref<128x72xf32, #tpu.memory_space<hbm>> -> memref<125x8xf32, #tpu.memory_space<hbm>>
        tpu.enqueue_dma source(%dma_start3A_715 : memref<125x8xf32, #tpu.memory_space<hbm>>) target(%dma_start3A_712 : memref<125x8xf32, #tpu.memory_space<vmem_shared>>) target_semaphore(%run_scoped3A : memref<!tpu.dma_semaphore, #tpu.memory_space<semaphore_mem>>)
        %dma_wait3A_716 = arith.constant 64 : i32
        %dma_wait3A_717 = tpu.memref_slice %arg12[%add3A_702, %dma_wait3A_716] : memref<10000x72xf32, #tpu.memory_space<vmem_shared>> -> memref<125x8xf32, #tpu.memory_space<vmem_shared>>
        %dma_wait3A_718 = arith.constant 0 : i32
        %dma_wait3A_719 = arith.constant 0 : i32
        %dma_wait3A_720 = tpu.memref_slice %arg5[%dma_wait3A_718, %dma_wait3A_719] : memref<128x72xf32, #tpu.memory_space<hbm>> -> memref<125x8xf32, #tpu.memory_space<hbm>>
        tpu.wait_dma2 semaphore(%run_scoped3A : memref<!tpu.dma_semaphore, #tpu.memory_space<semaphore_mem>>) src(%dma_wait3A_720 : memref<125x8xf32, #tpu.memory_space<hbm>>) dst(%dma_wait3A_717 : memref<125x8xf32, #tpu.memory_space<vmem_shared>>)
        tpu.yield
      }) : () -> ()
      %mul3A_703 = arith.constant 625 : i32
      %mul3A_704 = arith.muli %arg1, %mul3A_703 : i32
      %add3A_705 = arith.constant 375 : i32
      %add3A_706 = arith.addi %mul3A_704, %add3A_705 : i32
      "tpu.region"() ({
        %run_scoped3A = tpu.sem_alloc : memref<!tpu.dma_semaphore, #tpu.memory_space<semaphore_mem>>
        %dma_start3A_711 = arith.constant 64 : i32
        %dma_start3A_712 = tpu.memref_slice %arg12[%add3A_706, %dma_start3A_711] : memref<10000x72xf32, #tpu.memory_space<vmem_shared>> -> memref<125x8xf32, #tpu.memory_space<vmem_shared>>
        %dma_start3A_713 = arith.constant 0 : i32
        %dma_start3A_714 = arith.constant 0 : i32
        %dma_start3A_715 = tpu.memref_slice %arg5[%dma_start3A_713, %dma_start3A_714] : memref<128x72xf32, #tpu.memory_space<hbm>> -> memref<125x8xf32, #tpu.memory_space<hbm>>
        tpu.enqueue_dma source(%dma_start3A_715 : memref<125x8xf32, #tpu.memory_space<hbm>>) target(%dma_start3A_712 : memref<125x8xf32, #tpu.memory_space<vmem_shared>>) target_semaphore(%run_scoped3A : memref<!tpu.dma_semaphore, #tpu.memory_space<semaphore_mem>>)
        %dma_wait3A_716 = arith.constant 64 : i32
        %dma_wait3A_717 = tpu.memref_slice %arg12[%add3A_706, %dma_wait3A_716] : memref<10000x72xf32, #tpu.memory_space<vmem_shared>> -> memref<125x8xf32, #tpu.memory_space<vmem_shared>>
        %dma_wait3A_718 = arith.constant 0 : i32
        %dma_wait3A_719 = arith.constant 0 : i32
        %dma_wait3A_720 = tpu.memref_slice %arg5[%dma_wait3A_718, %dma_wait3A_719] : memref<128x72xf32, #tpu.memory_space<hbm>> -> memref<125x8xf32, #tpu.memory_space<hbm>>
        tpu.wait_dma2 semaphore(%run_scoped3A : memref<!tpu.dma_semaphore, #tpu.memory_space<semaphore_mem>>) src(%dma_wait3A_720 : memref<125x8xf32, #tpu.memory_space<hbm>>) dst(%dma_wait3A_717 : memref<125x8xf32, #tpu.memory_space<vmem_shared>>)
        tpu.yield
      }) : () -> ()
      %mul3A_707 = arith.constant 625 : i32
      %mul3A_708 = arith.muli %arg1, %mul3A_707 : i32
      %add3A_709 = arith.constant 500 : i32
      %add3A_710 = arith.addi %mul3A_708, %add3A_709 : i32
      "tpu.region"() ({
        %run_scoped3A = tpu.sem_alloc : memref<!tpu.dma_semaphore, #tpu.memory_space<semaphore_mem>>
        %dma_start3A_711 = arith.constant 64 : i32
        %dma_start3A_712 = tpu.memref_slice %arg12[%add3A_710, %dma_start3A_711] : memref<10000x72xf32, #tpu.memory_space<vmem_shared>> -> memref<125x8xf32, #tpu.memory_space<vmem_shared>>
        %dma_start3A_713 = arith.constant 0 : i32
        %dma_start3A_714 = arith.constant 0 : i32
        %dma_start3A_715 = tpu.memref_slice %arg5[%dma_start3A_713, %dma_start3A_714] : memref<128x72xf32, #tpu.memory_space<hbm>> -> memref<125x8xf32, #tpu.memory_space<hbm>>
        tpu.enqueue_dma source(%dma_start3A_715 : memref<125x8xf32, #tpu.memory_space<hbm>>) target(%dma_start3A_712 : memref<125x8xf32, #tpu.memory_space<vmem_shared>>) target_semaphore(%run_scoped3A : memref<!tpu.dma_semaphore, #tpu.memory_space<semaphore_mem>>)
        %dma_wait3A_716 = arith.constant 64 : i32
        %dma_wait3A_717 = tpu.memref_slice %arg12[%add3A_710, %dma_wait3A_716] : memref<10000x72xf32, #tpu.memory_space<vmem_shared>> -> memref<125x8xf32, #tpu.memory_space<vmem_shared>>
        %dma_wait3A_718 = arith.constant 0 : i32
        %dma_wait3A_719 = arith.constant 0 : i32
        %dma_wait3A_720 = tpu.memref_slice %arg5[%dma_wait3A_718, %dma_wait3A_719] : memref<128x72xf32, #tpu.memory_space<hbm>> -> memref<125x8xf32, #tpu.memory_space<hbm>>
        tpu.wait_dma2 semaphore(%run_scoped3A : memref<!tpu.dma_semaphore, #tpu.memory_space<semaphore_mem>>) src(%dma_wait3A_720 : memref<125x8xf32, #tpu.memory_space<hbm>>) dst(%dma_wait3A_717 : memref<125x8xf32, #tpu.memory_space<vmem_shared>>)
        tpu.yield
      }) : () -> ()
    } else {
    }
    "tpu.region"() ({
      %run_scoped3A = tpu.sem_alloc : memref<!tpu.dma_semaphore, #tpu.memory_space<semaphore_mem>>
      tpu.enqueue_dma source(%arg5 : memref<128x72xf32, #tpu.memory_space<hbm>>) target(%arg10 : memref<128x72xf32, #tpu.memory_space<vmem>>) target_semaphore(%run_scoped3A : memref<!tpu.dma_semaphore, #tpu.memory_space<semaphore_mem>>)
      tpu.wait_dma2 semaphore(%run_scoped3A : memref<!tpu.dma_semaphore, #tpu.memory_space<semaphore_mem>>) src(%arg5 : memref<128x72xf32, #tpu.memory_space<hbm>>) dst(%arg10 : memref<128x72xf32, #tpu.memory_space<vmem>>)
      tpu.yield
    }) : () -> ()
    %mul3A_8 = arith.constant 640 : i32
    %mul3A_9 = arith.muli %arg1, %mul3A_8 : i32
    %add3A = arith.constant 0 : i32
    %add3A_10 = arith.addi %mul3A_9, %add3A : i32
    "tpu.region"() ({
      %run_scoped3A = tpu.sem_alloc : memref<!tpu.dma_semaphore, #tpu.memory_space<semaphore_mem>>
      %dma_start3A_691 = arith.constant 0 : i32
      %dma_start3A_692 = tpu.memref_slice %arg13[%add3A_10, %dma_start3A_691] : memref<10240x72xf32, #tpu.memory_space<vmem_shared>> -> memref<128x72xf32, #tpu.memory_space<vmem_shared>>
      %dma_start3A_693 = arith.constant 0 : i32
      %dma_start3A_694 = tpu.memref_slice %arg13[%add3A_10, %dma_start3A_693] : memref<10240x72xf32, #tpu.memory_space<vmem_shared>> -> memref<128x72xf32, #tpu.memory_space<vmem_shared>>
      tpu.enqueue_dma source(%arg10 : memref<128x72xf32, #tpu.memory_space<vmem>>) target(%dma_start3A_694 : memref<128x72xf32, #tpu.memory_space<vmem_shared>>) target_semaphore(%run_scoped3A : memref<!tpu.dma_semaphore, #tpu.memory_space<semaphore_mem>>)
      %dma_wait3A_695 = arith.constant 0 : i32
      %dma_wait3A_696 = tpu.memref_slice %arg13[%add3A_10, %dma_wait3A_695] : memref<10240x72xf32, #tpu.memory_space<vmem_shared>> -> memref<128x72xf32, #tpu.memory_space<vmem_shared>>
      %dma_wait3A_697 = arith.constant 0 : i32
      %dma_wait3A_698 = tpu.memref_slice %arg13[%add3A_10, %dma_wait3A_697] : memref<10240x72xf32, #tpu.memory_space<vmem_shared>> -> memref<128x72xf32, #tpu.memory_space<vmem_shared>>
      tpu.wait_dma2 semaphore(%run_scoped3A : memref<!tpu.dma_semaphore, #tpu.memory_space<semaphore_mem>>) src(%arg10 : memref<128x72xf32, #tpu.memory_space<vmem>>) dst(%dma_wait3A_698 : memref<128x72xf32, #tpu.memory_space<vmem_shared>>)
      tpu.yield
    }) : () -> ()
    %mul3A_11 = arith.constant 640 : i32
    %mul3A_12 = arith.muli %arg1, %mul3A_11 : i32
    %add3A_13 = arith.constant 128 : i32
    %add3A_14 = arith.addi %mul3A_12, %add3A_13 : i32
    "tpu.region"() ({
      %run_scoped3A = tpu.sem_alloc : memref<!tpu.dma_semaphore, #tpu.memory_space<semaphore_mem>>
      %dma_start3A_691 = arith.constant 0 : i32
      %dma_start3A_692 = tpu.memref_slice %arg13[%add3A_14, %dma_start3A_691] : memref<10240x72xf32, #tpu.memory_space<vmem_shared>> -> memref<128x72xf32, #tpu.memory_space<vmem_shared>>
      %dma_start3A_693 = arith.constant 0 : i32
      %dma_start3A_694 = tpu.memref_slice %arg13[%add3A_14, %dma_start3A_693] : memref<10240x72xf32, #tpu.memory_space<vmem_shared>> -> memref<128x72xf32, #tpu.memory_space<vmem_shared>>
      tpu.enqueue_dma source(%arg10 : memref<128x72xf32, #tpu.memory_space<vmem>>) target(%dma_start3A_694 : memref<128x72xf32, #tpu.memory_space<vmem_shared>>) target_semaphore(%run_scoped3A : memref<!tpu.dma_semaphore, #tpu.memory_space<semaphore_mem>>)
      %dma_wait3A_695 = arith.constant 0 : i32
      %dma_wait3A_696 = tpu.memref_slice %arg13[%add3A_14, %dma_wait3A_695] : memref<10240x72xf32, #tpu.memory_space<vmem_shared>> -> memref<128x72xf32, #tpu.memory_space<vmem_shared>>
      %dma_wait3A_697 = arith.constant 0 : i32
      %dma_wait3A_698 = tpu.memref_slice %arg13[%add3A_14, %dma_wait3A_697] : memref<10240x72xf32, #tpu.memory_space<vmem_shared>> -> memref<128x72xf32, #tpu.memory_space<vmem_shared>>
      tpu.wait_dma2 semaphore(%run_scoped3A : memref<!tpu.dma_semaphore, #tpu.memory_space<semaphore_mem>>) src(%arg10 : memref<128x72xf32, #tpu.memory_space<vmem>>) dst(%dma_wait3A_698 : memref<128x72xf32, #tpu.memory_space<vmem_shared>>)
      tpu.yield
    }) : () -> ()
    %mul3A_15 = arith.constant 640 : i32
    %mul3A_16 = arith.muli %arg1, %mul3A_15 : i32
    %add3A_17 = arith.constant 256 : i32
    %add3A_18 = arith.addi %mul3A_16, %add3A_17 : i32
    "tpu.region"() ({
      %run_scoped3A = tpu.sem_alloc : memref<!tpu.dma_semaphore, #tpu.memory_space<semaphore_mem>>
      %dma_start3A_691 = arith.constant 0 : i32
      %dma_start3A_692 = tpu.memref_slice %arg13[%add3A_18, %dma_start3A_691] : memref<10240x72xf32, #tpu.memory_space<vmem_shared>> -> memref<128x72xf32, #tpu.memory_space<vmem_shared>>
      %dma_start3A_693 = arith.constant 0 : i32
      %dma_start3A_694 = tpu.memref_slice %arg13[%add3A_18, %dma_start3A_693] : memref<10240x72xf32, #tpu.memory_space<vmem_shared>> -> memref<128x72xf32, #tpu.memory_space<vmem_shared>>
      tpu.enqueue_dma source(%arg10 : memref<128x72xf32, #tpu.memory_space<vmem>>) target(%dma_start3A_694 : memref<128x72xf32, #tpu.memory_space<vmem_shared>>) target_semaphore(%run_scoped3A : memref<!tpu.dma_semaphore, #tpu.memory_space<semaphore_mem>>)
      %dma_wait3A_695 = arith.constant 0 : i32
      %dma_wait3A_696 = tpu.memref_slice %arg13[%add3A_18, %dma_wait3A_695] : memref<10240x72xf32, #tpu.memory_space<vmem_shared>> -> memref<128x72xf32, #tpu.memory_space<vmem_shared>>
      %dma_wait3A_697 = arith.constant 0 : i32
      %dma_wait3A_698 = tpu.memref_slice %arg13[%add3A_18, %dma_wait3A_697] : memref<10240x72xf32, #tpu.memory_space<vmem_shared>> -> memref<128x72xf32, #tpu.memory_space<vmem_shared>>
      tpu.wait_dma2 semaphore(%run_scoped3A : memref<!tpu.dma_semaphore, #tpu.memory_space<semaphore_mem>>) src(%arg10 : memref<128x72xf32, #tpu.memory_space<vmem>>) dst(%dma_wait3A_698 : memref<128x72xf32, #tpu.memory_space<vmem_shared>>)
      tpu.yield
    }) : () -> ()
    %mul3A_19 = arith.constant 640 : i32
    %mul3A_20 = arith.muli %arg1, %mul3A_19 : i32
    %add3A_21 = arith.constant 384 : i32
    %add3A_22 = arith.addi %mul3A_20, %add3A_21 : i32
    "tpu.region"() ({
      %run_scoped3A = tpu.sem_alloc : memref<!tpu.dma_semaphore, #tpu.memory_space<semaphore_mem>>
      %dma_start3A_691 = arith.constant 0 : i32
      %dma_start3A_692 = tpu.memref_slice %arg13[%add3A_22, %dma_start3A_691] : memref<10240x72xf32, #tpu.memory_space<vmem_shared>> -> memref<128x72xf32, #tpu.memory_space<vmem_shared>>
      %dma_start3A_693 = arith.constant 0 : i32
      %dma_start3A_694 = tpu.memref_slice %arg13[%add3A_22, %dma_start3A_693] : memref<10240x72xf32, #tpu.memory_space<vmem_shared>> -> memref<128x72xf32, #tpu.memory_space<vmem_shared>>
      tpu.enqueue_dma source(%arg10 : memref<128x72xf32, #tpu.memory_space<vmem>>) target(%dma_start3A_694 : memref<128x72xf32, #tpu.memory_space<vmem_shared>>) target_semaphore(%run_scoped3A : memref<!tpu.dma_semaphore, #tpu.memory_space<semaphore_mem>>)
      %dma_wait3A_695 = arith.constant 0 : i32
      %dma_wait3A_696 = tpu.memref_slice %arg13[%add3A_22, %dma_wait3A_695] : memref<10240x72xf32, #tpu.memory_space<vmem_shared>> -> memref<128x72xf32, #tpu.memory_space<vmem_shared>>
      %dma_wait3A_697 = arith.constant 0 : i32
      %dma_wait3A_698 = tpu.memref_slice %arg13[%add3A_22, %dma_wait3A_697] : memref<10240x72xf32, #tpu.memory_space<vmem_shared>> -> memref<128x72xf32, #tpu.memory_space<vmem_shared>>
      tpu.wait_dma2 semaphore(%run_scoped3A : memref<!tpu.dma_semaphore, #tpu.memory_space<semaphore_mem>>) src(%arg10 : memref<128x72xf32, #tpu.memory_space<vmem>>) dst(%dma_wait3A_698 : memref<128x72xf32, #tpu.memory_space<vmem_shared>>)
      tpu.yield
    }) : () -> ()
    %mul3A_23 = arith.constant 640 : i32
    %mul3A_24 = arith.muli %arg1, %mul3A_23 : i32
    %add3A_25 = arith.constant 512 : i32
    %add3A_26 = arith.addi %mul3A_24, %add3A_25 : i32
    "tpu.region"() ({
      %run_scoped3A = tpu.sem_alloc : memref<!tpu.dma_semaphore, #tpu.memory_space<semaphore_mem>>
      %dma_start3A_691 = arith.constant 0 : i32
      %dma_start3A_692 = tpu.memref_slice %arg13[%add3A_26, %dma_start3A_691] : memref<10240x72xf32, #tpu.memory_space<vmem_shared>> -> memref<128x72xf32, #tpu.memory_space<vmem_shared>>
      %dma_start3A_693 = arith.constant 0 : i32
      %dma_start3A_694 = tpu.memref_slice %arg13[%add3A_26, %dma_start3A_693] : memref<10240x72xf32, #tpu.memory_space<vmem_shared>> -> memref<128x72xf32, #tpu.memory_space<vmem_shared>>
      tpu.enqueue_dma source(%arg10 : memref<128x72xf32, #tpu.memory_space<vmem>>) target(%dma_start3A_694 : memref<128x72xf32, #tpu.memory_space<vmem_shared>>) target_semaphore(%run_scoped3A : memref<!tpu.dma_semaphore, #tpu.memory_space<semaphore_mem>>)
      %dma_wait3A_695 = arith.constant 0 : i32
      %dma_wait3A_696 = tpu.memref_slice %arg13[%add3A_26, %dma_wait3A_695] : memref<10240x72xf32, #tpu.memory_space<vmem_shared>> -> memref<128x72xf32, #tpu.memory_space<vmem_shared>>
      %dma_wait3A_697 = arith.constant 0 : i32
      %dma_wait3A_698 = tpu.memref_slice %arg13[%add3A_26, %dma_wait3A_697] : memref<10240x72xf32, #tpu.memory_space<vmem_shared>> -> memref<128x72xf32, #tpu.memory_space<vmem_shared>>
      tpu.wait_dma2 semaphore(%run_scoped3A : memref<!tpu.dma_semaphore, #tpu.memory_space<semaphore_mem>>) src(%arg10 : memref<128x72xf32, #tpu.memory_space<vmem>>) dst(%dma_wait3A_698 : memref<128x72xf32, #tpu.memory_space<vmem_shared>>)
      tpu.yield
    }) : () -> ()
    %barrier3A = arith.constant 0 : index
    tpu.barrier barrier_id(%barrier3A)
    %get3A = arith.constant 0 : i32
    %get3A_27 = arith.index_cast %get3A : i32 to index
    %get3A_28 = arith.constant 0 : index
    %get3A_29 = tpu.vector_load %arg7[%get3A_27, %get3A_28] {strides = array<i32>} : memref<160x128xi32, #tpu.memory_space<vmem>>, vector<1x16xi32>,
    %get3A_30 = vector.shape_cast %get3A_29 : vector<1x16xi32> to vector<16xi32>
    %shift_right_logical3A = arith.constant 16 : i32
    %shift_right_logical3A_31 = vector.broadcast %shift_right_logical3A : i32 to vector<16xi32>
    %shift_right_logical3A_32 = arith.shrui %get3A_30, %shift_right_logical3A_31 : vector<16xi32>
    %swap3A = arith.constant 0 : i32
    %swap3A_33 = arith.index_cast %swap3A : i32 to index
    %swap3A_34 = arith.constant 0 : index
    %swap3A_35 = tpu.vector_load %arg8[%swap3A_33, %swap3A_34] {strides = array<i32>} : memref<2x128xi32, #tpu.memory_space<vmem>>, vector<1x16xi32>,
    %swap3A_36 = vector.shape_cast %swap3A_35 : vector<1x16xi32> to vector<16xi32>
    %swap3A_37 = vector.shape_cast %shift_right_logical3A_32 : vector<16xi32> to vector<1x16xi32>
    tpu.vector_store %arg8[%swap3A_33, %swap3A_34], %swap3A_37 {strides = array<i32>} : memref<2x128xi32, #tpu.memory_space<vmem>>, vector<1x16xi32>,
    %and3A = arith.constant 65535 : i32
    %and3A_38 = vector.broadcast %and3A : i32 to vector<16xi32>
    %and3A_39 = arith.andi %get3A_30, %and3A_38 : vector<16xi32>
    %swap3A_40 = arith.constant 0 : i32
    %swap3A_41 = arith.index_cast %swap3A_40 : i32 to index
    %swap3A_42 = arith.constant 0 : index
    %swap3A_43 = tpu.vector_load %arg9[%swap3A_41, %swap3A_42] {strides = array<i32>} : memref<2x128xi32, #tpu.memory_space<vmem>>, vector<1x16xi32>,
    %swap3A_44 = vector.shape_cast %swap3A_43 : vector<1x16xi32> to vector<16xi32>
    %swap3A_45 = vector.shape_cast %and3A_39 : vector<16xi32> to vector<1x16xi32>
    tpu.vector_store %arg9[%swap3A_41, %swap3A_42], %swap3A_45 {strides = array<i32>} : memref<2x128xi32, #tpu.memory_space<vmem>>, vector<1x16xi32>,
    %get3A_46 = arith.constant 0 : i32
    %get3A_47 = arith.index_cast %get3A_46 : i32 to index
    %get3A_48 = arith.constant 16 : index
    %get3A_49 = tpu.vector_load %arg7[%get3A_47, %get3A_48] {strides = array<i32>} : memref<160x128xi32, #tpu.memory_space<vmem>>, vector<1x16xi32>,
    %get3A_50 = vector.shape_cast %get3A_49 : vector<1x16xi32> to vector<16xi32>
    %shift_right_logical3A_51 = arith.constant 16 : i32
    %shift_right_logical3A_52 = vector.broadcast %shift_right_logical3A_51 : i32 to vector<16xi32>
    %shift_right_logical3A_53 = arith.shrui %get3A_50, %shift_right_logical3A_52 : vector<16xi32>
    %swap3A_54 = arith.constant 0 : i32
    %swap3A_55 = arith.index_cast %swap3A_54 : i32 to index
    %swap3A_56 = arith.constant 16 : index
    %swap3A_57 = tpu.vector_load %arg8[%swap3A_55, %swap3A_56] {strides = array<i32>} : memref<2x128xi32, #tpu.memory_space<vmem>>, vector<1x16xi32>,
    %swap3A_58 = vector.shape_cast %swap3A_57 : vector<1x16xi32> to vector<16xi32>
    %swap3A_59 = vector.shape_cast %shift_right_logical3A_53 : vector<16xi32> to vector<1x16xi32>
    tpu.vector_store %arg8[%swap3A_55, %swap3A_56], %swap3A_59 {strides = array<i32>} : memref<2x128xi32, #tpu.memory_space<vmem>>, vector<1x16xi32>,
    %and3A_60 = arith.constant 65535 : i32
    %and3A_61 = vector.broadcast %and3A_60 : i32 to vector<16xi32>
    %and3A_62 = arith.andi %get3A_50, %and3A_61 : vector<16xi32>
    %swap3A_63 = arith.constant 0 : i32
    %swap3A_64 = arith.index_cast %swap3A_63 : i32 to index
    %swap3A_65 = arith.constant 16 : index
    %swap3A_66 = tpu.vector_load %arg9[%swap3A_64, %swap3A_65] {strides = array<i32>} : memref<2x128xi32, #tpu.memory_space<vmem>>, vector<1x16xi32>,
    %swap3A_67 = vector.shape_cast %swap3A_66 : vector<1x16xi32> to vector<16xi32>
    %swap3A_68 = vector.shape_cast %and3A_62 : vector<16xi32> to vector<1x16xi32>
    tpu.vector_store %arg9[%swap3A_64, %swap3A_65], %swap3A_68 {strides = array<i32>} : memref<2x128xi32, #tpu.memory_space<vmem>>, vector<1x16xi32>,
    %get3A_69 = arith.constant 0 : i32
    %get3A_70 = arith.index_cast %get3A_69 : i32 to index
    %get3A_71 = arith.constant 32 : index
    %get3A_72 = tpu.vector_load %arg7[%get3A_70, %get3A_71] {strides = array<i32>} : memref<160x128xi32, #tpu.memory_space<vmem>>, vector<1x16xi32>,
    %get3A_73 = vector.shape_cast %get3A_72 : vector<1x16xi32> to vector<16xi32>
    %shift_right_logical3A_74 = arith.constant 16 : i32
    %shift_right_logical3A_75 = vector.broadcast %shift_right_logical3A_74 : i32 to vector<16xi32>
    %shift_right_logical3A_76 = arith.shrui %get3A_73, %shift_right_logical3A_75 : vector<16xi32>
    %swap3A_77 = arith.constant 0 : i32
    %swap3A_78 = arith.index_cast %swap3A_77 : i32 to index
    %swap3A_79 = arith.constant 32 : index
    %swap3A_80 = tpu.vector_load %arg8[%swap3A_78, %swap3A_79] {strides = array<i32>} : memref<2x128xi32, #tpu.memory_space<vmem>>, vector<1x16xi32>,
    %swap3A_81 = vector.shape_cast %swap3A_80 : vector<1x16xi32> to vector<16xi32>
    %swap3A_82 = vector.shape_cast %shift_right_logical3A_76 : vector<16xi32> to vector<1x16xi32>
    tpu.vector_store %arg8[%swap3A_78, %swap3A_79], %swap3A_82 {strides = array<i32>} : memref<2x128xi32, #tpu.memory_space<vmem>>, vector<1x16xi32>,
    %and3A_83 = arith.constant 65535 : i32
    %and3A_84 = vector.broadcast %and3A_83 : i32 to vector<16xi32>
    %and3A_85 = arith.andi %get3A_73, %and3A_84 : vector<16xi32>
    %swap3A_86 = arith.constant 0 : i32
    %swap3A_87 = arith.index_cast %swap3A_86 : i32 to index
    %swap3A_88 = arith.constant 32 : index
    %swap3A_89 = tpu.vector_load %arg9[%swap3A_87, %swap3A_88] {strides = array<i32>} : memref<2x128xi32, #tpu.memory_space<vmem>>, vector<1x16xi32>,
    %swap3A_90 = vector.shape_cast %swap3A_89 : vector<1x16xi32> to vector<16xi32>
    %swap3A_91 = vector.shape_cast %and3A_85 : vector<16xi32> to vector<1x16xi32>
    tpu.vector_store %arg9[%swap3A_87, %swap3A_88], %swap3A_91 {strides = array<i32>} : memref<2x128xi32, #tpu.memory_space<vmem>>, vector<1x16xi32>,
    %get3A_92 = arith.constant 0 : i32
    %get3A_93 = arith.index_cast %get3A_92 : i32 to index
    %get3A_94 = arith.constant 48 : index
    %get3A_95 = tpu.vector_load %arg7[%get3A_93, %get3A_94] {strides = array<i32>} : memref<160x128xi32, #tpu.memory_space<vmem>>, vector<1x16xi32>,
    %get3A_96 = vector.shape_cast %get3A_95 : vector<1x16xi32> to vector<16xi32>
    %shift_right_logical3A_97 = arith.constant 16 : i32
    %shift_right_logical3A_98 = vector.broadcast %shift_right_logical3A_97 : i32 to vector<16xi32>
    %shift_right_logical3A_99 = arith.shrui %get3A_96, %shift_right_logical3A_98 : vector<16xi32>
    %swap3A_100 = arith.constant 0 : i32
    %swap3A_101 = arith.index_cast %swap3A_100 : i32 to index
    %swap3A_102 = arith.constant 48 : index
    %swap3A_103 = tpu.vector_load %arg8[%swap3A_101, %swap3A_102] {strides = array<i32>} : memref<2x128xi32, #tpu.memory_space<vmem>>, vector<1x16xi32>,
    %swap3A_104 = vector.shape_cast %swap3A_103 : vector<1x16xi32> to vector<16xi32>
    %swap3A_105 = vector.shape_cast %shift_right_logical3A_99 : vector<16xi32> to vector<1x16xi32>
    tpu.vector_store %arg8[%swap3A_101, %swap3A_102], %swap3A_105 {strides = array<i32>} : memref<2x128xi32, #tpu.memory_space<vmem>>, vector<1x16xi32>,
    %and3A_106 = arith.constant 65535 : i32
    %and3A_107 = vector.broadcast %and3A_106 : i32 to vector<16xi32>
    %and3A_108 = arith.andi %get3A_96, %and3A_107 : vector<16xi32>
    %swap3A_109 = arith.constant 0 : i32
    %swap3A_110 = arith.index_cast %swap3A_109 : i32 to index
    %swap3A_111 = arith.constant 48 : index
    %swap3A_112 = tpu.vector_load %arg9[%swap3A_110, %swap3A_111] {strides = array<i32>} : memref<2x128xi32, #tpu.memory_space<vmem>>, vector<1x16xi32>,
    %swap3A_113 = vector.shape_cast %swap3A_112 : vector<1x16xi32> to vector<16xi32>
    %swap3A_114 = vector.shape_cast %and3A_108 : vector<16xi32> to vector<1x16xi32>
    tpu.vector_store %arg9[%swap3A_110, %swap3A_111], %swap3A_114 {strides = array<i32>} : memref<2x128xi32, #tpu.memory_space<vmem>>, vector<1x16xi32>,
    %get3A_115 = arith.constant 0 : i32
    %get3A_116 = arith.index_cast %get3A_115 : i32 to index
    %get3A_117 = arith.constant 64 : index
    %get3A_118 = tpu.vector_load %arg7[%get3A_116, %get3A_117] {strides = array<i32>} : memref<160x128xi32, #tpu.memory_space<vmem>>, vector<1x16xi32>,
    %get3A_119 = vector.shape_cast %get3A_118 : vector<1x16xi32> to vector<16xi32>
    %shift_right_logical3A_120 = arith.constant 16 : i32
    %shift_right_logical3A_121 = vector.broadcast %shift_right_logical3A_120 : i32 to vector<16xi32>
    %shift_right_logical3A_122 = arith.shrui %get3A_119, %shift_right_logical3A_121 : vector<16xi32>
    %swap3A_123 = arith.constant 0 : i32
    %swap3A_124 = arith.index_cast %swap3A_123 : i32 to index
    %swap3A_125 = arith.constant 64 : index
    %swap3A_126 = tpu.vector_load %arg8[%swap3A_124, %swap3A_125] {strides = array<i32>} : memref<2x128xi32, #tpu.memory_space<vmem>>, vector<1x16xi32>,
    %swap3A_127 = vector.shape_cast %swap3A_126 : vector<1x16xi32> to vector<16xi32>
    %swap3A_128 = vector.shape_cast %shift_right_logical3A_122 : vector<16xi32> to vector<1x16xi32>
    tpu.vector_store %arg8[%swap3A_124, %swap3A_125], %swap3A_128 {strides = array<i32>} : memref<2x128xi32, #tpu.memory_space<vmem>>, vector<1x16xi32>,
    %and3A_129 = arith.constant 65535 : i32
    %and3A_130 = vector.broadcast %and3A_129 : i32 to vector<16xi32>
    %and3A_131 = arith.andi %get3A_119, %and3A_130 : vector<16xi32>
    %swap3A_132 = arith.constant 0 : i32
    %swap3A_133 = arith.index_cast %swap3A_132 : i32 to index
    %swap3A_134 = arith.constant 64 : index
    %swap3A_135 = tpu.vector_load %arg9[%swap3A_133, %swap3A_134] {strides = array<i32>} : memref<2x128xi32, #tpu.memory_space<vmem>>, vector<1x16xi32>,
    %swap3A_136 = vector.shape_cast %swap3A_135 : vector<1x16xi32> to vector<16xi32>
    %swap3A_137 = vector.shape_cast %and3A_131 : vector<16xi32> to vector<1x16xi32>
    tpu.vector_store %arg9[%swap3A_133, %swap3A_134], %swap3A_137 {strides = array<i32>} : memref<2x128xi32, #tpu.memory_space<vmem>>, vector<1x16xi32>,
    %get3A_138 = arith.constant 0 : i32
    %get3A_139 = arith.index_cast %get3A_138 : i32 to index
    %get3A_140 = arith.constant 80 : index
    %get3A_141 = tpu.vector_load %arg7[%get3A_139, %get3A_140] {strides = array<i32>} : memref<160x128xi32, #tpu.memory_space<vmem>>, vector<1x16xi32>,
    %get3A_142 = vector.shape_cast %get3A_141 : vector<1x16xi32> to vector<16xi32>
    %shift_right_logical3A_143 = arith.constant 16 : i32
    %shift_right_logical3A_144 = vector.broadcast %shift_right_logical3A_143 : i32 to vector<16xi32>
    %shift_right_logical3A_145 = arith.shrui %get3A_142, %shift_right_logical3A_144 : vector<16xi32>
    %swap3A_146 = arith.constant 0 : i32
    %swap3A_147 = arith.index_cast %swap3A_146 : i32 to index
    %swap3A_148 = arith.constant 80 : index
    %swap3A_149 = tpu.vector_load %arg8[%swap3A_147, %swap3A_148] {strides = array<i32>} : memref<2x128xi32, #tpu.memory_space<vmem>>, vector<1x16xi32>,
    %swap3A_150 = vector.shape_cast %swap3A_149 : vector<1x16xi32> to vector<16xi32>
    %swap3A_151 = vector.shape_cast %shift_right_logical3A_145 : vector<16xi32> to vector<1x16xi32>
    tpu.vector_store %arg8[%swap3A_147, %swap3A_148], %swap3A_151 {strides = array<i32>} : memref<2x128xi32, #tpu.memory_space<vmem>>, vector<1x16xi32>,
    %and3A_152 = arith.constant 65535 : i32
    %and3A_153 = vector.broadcast %and3A_152 : i32 to vector<16xi32>
    %and3A_154 = arith.andi %get3A_142, %and3A_153 : vector<16xi32>
    %swap3A_155 = arith.constant 0 : i32
    %swap3A_156 = arith.index_cast %swap3A_155 : i32 to index
    %swap3A_157 = arith.constant 80 : index
    %swap3A_158 = tpu.vector_load %arg9[%swap3A_156, %swap3A_157] {strides = array<i32>} : memref<2x128xi32, #tpu.memory_space<vmem>>, vector<1x16xi32>,
    %swap3A_159 = vector.shape_cast %swap3A_158 : vector<1x16xi32> to vector<16xi32>
    %swap3A_160 = vector.shape_cast %and3A_154 : vector<16xi32> to vector<1x16xi32>
    tpu.vector_store %arg9[%swap3A_156, %swap3A_157], %swap3A_160 {strides = array<i32>} : memref<2x128xi32, #tpu.memory_space<vmem>>, vector<1x16xi32>,
    %get3A_161 = arith.constant 0 : i32
    %get3A_162 = arith.index_cast %get3A_161 : i32 to index
    %get3A_163 = arith.constant 96 : index
    %get3A_164 = tpu.vector_load %arg7[%get3A_162, %get3A_163] {strides = array<i32>} : memref<160x128xi32, #tpu.memory_space<vmem>>, vector<1x16xi32>,
    %get3A_165 = vector.shape_cast %get3A_164 : vector<1x16xi32> to vector<16xi32>
    %shift_right_logical3A_166 = arith.constant 16 : i32
    %shift_right_logical3A_167 = vector.broadcast %shift_right_logical3A_166 : i32 to vector<16xi32>
    %shift_right_logical3A_168 = arith.shrui %get3A_165, %shift_right_logical3A_167 : vector<16xi32>
    %swap3A_169 = arith.constant 0 : i32
    %swap3A_170 = arith.index_cast %swap3A_169 : i32 to index
    %swap3A_171 = arith.constant 96 : index
    %swap3A_172 = tpu.vector_load %arg8[%swap3A_170, %swap3A_171] {strides = array<i32>} : memref<2x128xi32, #tpu.memory_space<vmem>>, vector<1x16xi32>,
    %swap3A_173 = vector.shape_cast %swap3A_172 : vector<1x16xi32> to vector<16xi32>
    %swap3A_174 = vector.shape_cast %shift_right_logical3A_168 : vector<16xi32> to vector<1x16xi32>
    tpu.vector_store %arg8[%swap3A_170, %swap3A_171], %swap3A_174 {strides = array<i32>} : memref<2x128xi32, #tpu.memory_space<vmem>>, vector<1x16xi32>,
    %and3A_175 = arith.constant 65535 : i32
    %and3A_176 = vector.broadcast %and3A_175 : i32 to vector<16xi32>
    %and3A_177 = arith.andi %get3A_165, %and3A_176 : vector<16xi32>
    %swap3A_178 = arith.constant 0 : i32
    %swap3A_179 = arith.index_cast %swap3A_178 : i32 to index
    %swap3A_180 = arith.constant 96 : index
    %swap3A_181 = tpu.vector_load %arg9[%swap3A_179, %swap3A_180] {strides = array<i32>} : memref<2x128xi32, #tpu.memory_space<vmem>>, vector<1x16xi32>,
    %swap3A_182 = vector.shape_cast %swap3A_181 : vector<1x16xi32> to vector<16xi32>
    %swap3A_183 = vector.shape_cast %and3A_177 : vector<16xi32> to vector<1x16xi32>
    tpu.vector_store %arg9[%swap3A_179, %swap3A_180], %swap3A_183 {strides = array<i32>} : memref<2x128xi32, #tpu.memory_space<vmem>>, vector<1x16xi32>,
    %get3A_184 = arith.constant 0 : i32
    %get3A_185 = arith.index_cast %get3A_184 : i32 to index
    %get3A_186 = arith.constant 112 : index
    %get3A_187 = tpu.vector_load %arg7[%get3A_185, %get3A_186] {strides = array<i32>} : memref<160x128xi32, #tpu.memory_space<vmem>>, vector<1x16xi32>,
    %get3A_188 = vector.shape_cast %get3A_187 : vector<1x16xi32> to vector<16xi32>
    %shift_right_logical3A_189 = arith.constant 16 : i32
    %shift_right_logical3A_190 = vector.broadcast %shift_right_logical3A_189 : i32 to vector<16xi32>
    %shift_right_logical3A_191 = arith.shrui %get3A_188, %shift_right_logical3A_190 : vector<16xi32>
    %swap3A_192 = arith.constant 0 : i32
    %swap3A_193 = arith.index_cast %swap3A_192 : i32 to index
    %swap3A_194 = arith.constant 112 : index
    %swap3A_195 = tpu.vector_load %arg8[%swap3A_193, %swap3A_194] {strides = array<i32>} : memref<2x128xi32, #tpu.memory_space<vmem>>, vector<1x16xi32>,
    %swap3A_196 = vector.shape_cast %swap3A_195 : vector<1x16xi32> to vector<16xi32>
    %swap3A_197 = vector.shape_cast %shift_right_logical3A_191 : vector<16xi32> to vector<1x16xi32>
    tpu.vector_store %arg8[%swap3A_193, %swap3A_194], %swap3A_197 {strides = array<i32>} : memref<2x128xi32, #tpu.memory_space<vmem>>, vector<1x16xi32>,
    %and3A_198 = arith.constant 65535 : i32
    %and3A_199 = vector.broadcast %and3A_198 : i32 to vector<16xi32>
    %and3A_200 = arith.andi %get3A_188, %and3A_199 : vector<16xi32>
    %swap3A_201 = arith.constant 0 : i32
    %swap3A_202 = arith.index_cast %swap3A_201 : i32 to index
    %swap3A_203 = arith.constant 112 : index
    %swap3A_204 = tpu.vector_load %arg9[%swap3A_202, %swap3A_203] {strides = array<i32>} : memref<2x128xi32, #tpu.memory_space<vmem>>, vector<1x16xi32>,
    %swap3A_205 = vector.shape_cast %swap3A_204 : vector<1x16xi32> to vector<16xi32>
    %swap3A_206 = vector.shape_cast %and3A_200 : vector<16xi32> to vector<1x16xi32>
    tpu.vector_store %arg9[%swap3A_202, %swap3A_203], %swap3A_206 {strides = array<i32>} : memref<2x128xi32, #tpu.memory_space<vmem>>, vector<1x16xi32>,
    %dma_start3A = arith.constant 0 : i32
    %dma_start3A_207 = arith.constant 0 : i32
    %dma_start3A_208 = tpu.memref_slice %arg9[%dma_start3A, %dma_start3A_207] : memref<2x128xi32, #tpu.memory_space<vmem>> -> memref<1x128xi32, #tpu.memory_space<vmem>>
    %dma_start3A_209 = tpu.memref_squeeze %dma_start3A_208 : memref<1x128xi32, #tpu.memory_space<vmem>> -> memref<128xi32, #tpu.memory_space<vmem>>
    %dma_start3A_210 = arith.constant 0 : i32
    %dma_start3A_211 = arith.constant 0 : i32
    %dma_start3A_212 = tpu.memref_slice %arg12[%dma_start3A_210, %dma_start3A_211] : memref<10000x72xf32, #tpu.memory_space<vmem_shared>> -> memref<10000x72xf32, #tpu.memory_space<vmem_shared>>
    tpu.enqueue_indirect_dma source(%dma_start3A_212 : memref<10000x72xf32, #tpu.memory_space<vmem_shared>>) target(%arg10 : memref<128x72xf32, #tpu.memory_space<vmem>>) offsets(%dma_start3A_209 : memref<128xi32, #tpu.memory_space<vmem>>) semaphore(%arg14 : memref<!tpu.dma_semaphore, #tpu.memory_space<semaphore_mem>>)
    %get3A_213 = arith.constant 1 : i32
    %get3A_214 = arith.index_cast %get3A_213 : i32 to index
    %get3A_215 = arith.constant 0 : index
    %get3A_216 = tpu.vector_load %arg7[%get3A_214, %get3A_215] {strides = array<i32>} : memref<160x128xi32, #tpu.memory_space<vmem>>, vector<1x16xi32>,
    %get3A_217 = vector.shape_cast %get3A_216 : vector<1x16xi32> to vector<16xi32>
    %shift_right_logical3A_218 = arith.constant 16 : i32
    %shift_right_logical3A_219 = vector.broadcast %shift_right_logical3A_218 : i32 to vector<16xi32>
    %shift_right_logical3A_220 = arith.shrui %get3A_217, %shift_right_logical3A_219 : vector<16xi32>
    %swap3A_221 = arith.constant 1 : i32
    %swap3A_222 = arith.index_cast %swap3A_221 : i32 to index
    %swap3A_223 = arith.constant 0 : index
    %swap3A_224 = tpu.vector_load %arg8[%swap3A_222, %swap3A_223] {strides = array<i32>} : memref<2x128xi32, #tpu.memory_space<vmem>>, vector<1x16xi32>,
    %swap3A_225 = vector.shape_cast %swap3A_224 : vector<1x16xi32> to vector<16xi32>
    %swap3A_226 = vector.shape_cast %shift_right_logical3A_220 : vector<16xi32> to vector<1x16xi32>
    tpu.vector_store %arg8[%swap3A_222, %swap3A_223], %swap3A_226 {strides = array<i32>} : memref<2x128xi32, #tpu.memory_space<vmem>>, vector<1x16xi32>,
    %and3A_227 = arith.constant 65535 : i32
    %and3A_228 = vector.broadcast %and3A_227 : i32 to vector<16xi32>
    %and3A_229 = arith.andi %get3A_217, %and3A_228 : vector<16xi32>
    %swap3A_230 = arith.constant 1 : i32
    %swap3A_231 = arith.index_cast %swap3A_230 : i32 to index
    %swap3A_232 = arith.constant 0 : index
    %swap3A_233 = tpu.vector_load %arg9[%swap3A_231, %swap3A_232] {strides = array<i32>} : memref<2x128xi32, #tpu.memory_space<vmem>>, vector<1x16xi32>,
    %swap3A_234 = vector.shape_cast %swap3A_233 : vector<1x16xi32> to vector<16xi32>
    %swap3A_235 = vector.shape_cast %and3A_229 : vector<16xi32> to vector<1x16xi32>
    tpu.vector_store %arg9[%swap3A_231, %swap3A_232], %swap3A_235 {strides = array<i32>} : memref<2x128xi32, #tpu.memory_space<vmem>>, vector<1x16xi32>,
    %get3A_236 = arith.constant 1 : i32
    %get3A_237 = arith.index_cast %get3A_236 : i32 to index
    %get3A_238 = arith.constant 16 : index
    %get3A_239 = tpu.vector_load %arg7[%get3A_237, %get3A_238] {strides = array<i32>} : memref<160x128xi32, #tpu.memory_space<vmem>>, vector<1x16xi32>,
    %get3A_240 = vector.shape_cast %get3A_239 : vector<1x16xi32> to vector<16xi32>
    %shift_right_logical3A_241 = arith.constant 16 : i32
    %shift_right_logical3A_242 = vector.broadcast %shift_right_logical3A_241 : i32 to vector<16xi32>
    %shift_right_logical3A_243 = arith.shrui %get3A_240, %shift_right_logical3A_242 : vector<16xi32>
    %swap3A_244 = arith.constant 1 : i32
    %swap3A_245 = arith.index_cast %swap3A_244 : i32 to index
    %swap3A_246 = arith.constant 16 : index
    %swap3A_247 = tpu.vector_load %arg8[%swap3A_245, %swap3A_246] {strides = array<i32>} : memref<2x128xi32, #tpu.memory_space<vmem>>, vector<1x16xi32>,
    %swap3A_248 = vector.shape_cast %swap3A_247 : vector<1x16xi32> to vector<16xi32>
    %swap3A_249 = vector.shape_cast %shift_right_logical3A_243 : vector<16xi32> to vector<1x16xi32>
    tpu.vector_store %arg8[%swap3A_245, %swap3A_246], %swap3A_249 {strides = array<i32>} : memref<2x128xi32, #tpu.memory_space<vmem>>, vector<1x16xi32>,
    %and3A_250 = arith.constant 65535 : i32
    %and3A_251 = vector.broadcast %and3A_250 : i32 to vector<16xi32>
    %and3A_252 = arith.andi %get3A_240, %and3A_251 : vector<16xi32>
    %swap3A_253 = arith.constant 1 : i32
    %swap3A_254 = arith.index_cast %swap3A_253 : i32 to index
    %swap3A_255 = arith.constant 16 : index
    %swap3A_256 = tpu.vector_load %arg9[%swap3A_254, %swap3A_255] {strides = array<i32>} : memref<2x128xi32, #tpu.memory_space<vmem>>, vector<1x16xi32>,
    %swap3A_257 = vector.shape_cast %swap3A_256 : vector<1x16xi32> to vector<16xi32>
    %swap3A_258 = vector.shape_cast %and3A_252 : vector<16xi32> to vector<1x16xi32>
    tpu.vector_store %arg9[%swap3A_254, %swap3A_255], %swap3A_258 {strides = array<i32>} : memref<2x128xi32, #tpu.memory_space<vmem>>, vector<1x16xi32>,
    %get3A_259 = arith.constant 1 : i32
    %get3A_260 = arith.index_cast %get3A_259 : i32 to index
    %get3A_261 = arith.constant 32 : index
    %get3A_262 = tpu.vector_load %arg7[%get3A_260, %get3A_261] {strides = array<i32>} : memref<160x128xi32, #tpu.memory_space<vmem>>, vector<1x16xi32>,
    %get3A_263 = vector.shape_cast %get3A_262 : vector<1x16xi32> to vector<16xi32>
    %shift_right_logical3A_264 = arith.constant 16 : i32
    %shift_right_logical3A_265 = vector.broadcast %shift_right_logical3A_264 : i32 to vector<16xi32>
    %shift_right_logical3A_266 = arith.shrui %get3A_263, %shift_right_logical3A_265 : vector<16xi32>
    %swap3A_267 = arith.constant 1 : i32
    %swap3A_268 = arith.index_cast %swap3A_267 : i32 to index
    %swap3A_269 = arith.constant 32 : index
    %swap3A_270 = tpu.vector_load %arg8[%swap3A_268, %swap3A_269] {strides = array<i32>} : memref<2x128xi32, #tpu.memory_space<vmem>>, vector<1x16xi32>,
    %swap3A_271 = vector.shape_cast %swap3A_270 : vector<1x16xi32> to vector<16xi32>
    %swap3A_272 = vector.shape_cast %shift_right_logical3A_266 : vector<16xi32> to vector<1x16xi32>
    tpu.vector_store %arg8[%swap3A_268, %swap3A_269], %swap3A_272 {strides = array<i32>} : memref<2x128xi32, #tpu.memory_space<vmem>>, vector<1x16xi32>,
    %and3A_273 = arith.constant 65535 : i32
    %and3A_274 = vector.broadcast %and3A_273 : i32 to vector<16xi32>
    %and3A_275 = arith.andi %get3A_263, %and3A_274 : vector<16xi32>
    %swap3A_276 = arith.constant 1 : i32
    %swap3A_277 = arith.index_cast %swap3A_276 : i32 to index
    %swap3A_278 = arith.constant 32 : index
    %swap3A_279 = tpu.vector_load %arg9[%swap3A_277, %swap3A_278] {strides = array<i32>} : memref<2x128xi32, #tpu.memory_space<vmem>>, vector<1x16xi32>,
    %swap3A_280 = vector.shape_cast %swap3A_279 : vector<1x16xi32> to vector<16xi32>
    %swap3A_281 = vector.shape_cast %and3A_275 : vector<16xi32> to vector<1x16xi32>
    tpu.vector_store %arg9[%swap3A_277, %swap3A_278], %swap3A_281 {strides = array<i32>} : memref<2x128xi32, #tpu.memory_space<vmem>>, vector<1x16xi32>,
    %get3A_282 = arith.constant 1 : i32
    %get3A_283 = arith.index_cast %get3A_282 : i32 to index
    %get3A_284 = arith.constant 48 : index
    %get3A_285 = tpu.vector_load %arg7[%get3A_283, %get3A_284] {strides = array<i32>} : memref<160x128xi32, #tpu.memory_space<vmem>>, vector<1x16xi32>,
    %get3A_286 = vector.shape_cast %get3A_285 : vector<1x16xi32> to vector<16xi32>
    %shift_right_logical3A_287 = arith.constant 16 : i32
    %shift_right_logical3A_288 = vector.broadcast %shift_right_logical3A_287 : i32 to vector<16xi32>
    %shift_right_logical3A_289 = arith.shrui %get3A_286, %shift_right_logical3A_288 : vector<16xi32>
    %swap3A_290 = arith.constant 1 : i32
    %swap3A_291 = arith.index_cast %swap3A_290 : i32 to index
    %swap3A_292 = arith.constant 48 : index
    %swap3A_293 = tpu.vector_load %arg8[%swap3A_291, %swap3A_292] {strides = array<i32>} : memref<2x128xi32, #tpu.memory_space<vmem>>, vector<1x16xi32>,
    %swap3A_294 = vector.shape_cast %swap3A_293 : vector<1x16xi32> to vector<16xi32>
    %swap3A_295 = vector.shape_cast %shift_right_logical3A_289 : vector<16xi32> to vector<1x16xi32>
    tpu.vector_store %arg8[%swap3A_291, %swap3A_292], %swap3A_295 {strides = array<i32>} : memref<2x128xi32, #tpu.memory_space<vmem>>, vector<1x16xi32>,
    %and3A_296 = arith.constant 65535 : i32
    %and3A_297 = vector.broadcast %and3A_296 : i32 to vector<16xi32>
    %and3A_298 = arith.andi %get3A_286, %and3A_297 : vector<16xi32>
    %swap3A_299 = arith.constant 1 : i32
    %swap3A_300 = arith.index_cast %swap3A_299 : i32 to index
    %swap3A_301 = arith.constant 48 : index
    %swap3A_302 = tpu.vector_load %arg9[%swap3A_300, %swap3A_301] {strides = array<i32>} : memref<2x128xi32, #tpu.memory_space<vmem>>, vector<1x16xi32>,
    %swap3A_303 = vector.shape_cast %swap3A_302 : vector<1x16xi32> to vector<16xi32>
    %swap3A_304 = vector.shape_cast %and3A_298 : vector<16xi32> to vector<1x16xi32>
    tpu.vector_store %arg9[%swap3A_300, %swap3A_301], %swap3A_304 {strides = array<i32>} : memref<2x128xi32, #tpu.memory_space<vmem>>, vector<1x16xi32>,
    %get3A_305 = arith.constant 1 : i32
    %get3A_306 = arith.index_cast %get3A_305 : i32 to index
    %get3A_307 = arith.constant 64 : index
    %get3A_308 = tpu.vector_load %arg7[%get3A_306, %get3A_307] {strides = array<i32>} : memref<160x128xi32, #tpu.memory_space<vmem>>, vector<1x16xi32>,
    %get3A_309 = vector.shape_cast %get3A_308 : vector<1x16xi32> to vector<16xi32>
    %shift_right_logical3A_310 = arith.constant 16 : i32
    %shift_right_logical3A_311 = vector.broadcast %shift_right_logical3A_310 : i32 to vector<16xi32>
    %shift_right_logical3A_312 = arith.shrui %get3A_309, %shift_right_logical3A_311 : vector<16xi32>
    %swap3A_313 = arith.constant 1 : i32
    %swap3A_314 = arith.index_cast %swap3A_313 : i32 to index
    %swap3A_315 = arith.constant 64 : index
    %swap3A_316 = tpu.vector_load %arg8[%swap3A_314, %swap3A_315] {strides = array<i32>} : memref<2x128xi32, #tpu.memory_space<vmem>>, vector<1x16xi32>,
    %swap3A_317 = vector.shape_cast %swap3A_316 : vector<1x16xi32> to vector<16xi32>
    %swap3A_318 = vector.shape_cast %shift_right_logical3A_312 : vector<16xi32> to vector<1x16xi32>
    tpu.vector_store %arg8[%swap3A_314, %swap3A_315], %swap3A_318 {strides = array<i32>} : memref<2x128xi32, #tpu.memory_space<vmem>>, vector<1x16xi32>,
    %and3A_319 = arith.constant 65535 : i32
    %and3A_320 = vector.broadcast %and3A_319 : i32 to vector<16xi32>
    %and3A_321 = arith.andi %get3A_309, %and3A_320 : vector<16xi32>
    %swap3A_322 = arith.constant 1 : i32
    %swap3A_323 = arith.index_cast %swap3A_322 : i32 to index
    %swap3A_324 = arith.constant 64 : index
    %swap3A_325 = tpu.vector_load %arg9[%swap3A_323, %swap3A_324] {strides = array<i32>} : memref<2x128xi32, #tpu.memory_space<vmem>>, vector<1x16xi32>,
    %swap3A_326 = vector.shape_cast %swap3A_325 : vector<1x16xi32> to vector<16xi32>
    %swap3A_327 = vector.shape_cast %and3A_321 : vector<16xi32> to vector<1x16xi32>
    tpu.vector_store %arg9[%swap3A_323, %swap3A_324], %swap3A_327 {strides = array<i32>} : memref<2x128xi32, #tpu.memory_space<vmem>>, vector<1x16xi32>,
    %get3A_328 = arith.constant 1 : i32
    %get3A_329 = arith.index_cast %get3A_328 : i32 to index
    %get3A_330 = arith.constant 80 : index
    %get3A_331 = tpu.vector_load %arg7[%get3A_329, %get3A_330] {strides = array<i32>} : memref<160x128xi32, #tpu.memory_space<vmem>>, vector<1x16xi32>,
    %get3A_332 = vector.shape_cast %get3A_331 : vector<1x16xi32> to vector<16xi32>
    %shift_right_logical3A_333 = arith.constant 16 : i32
    %shift_right_logical3A_334 = vector.broadcast %shift_right_logical3A_333 : i32 to vector<16xi32>
    %shift_right_logical3A_335 = arith.shrui %get3A_332, %shift_right_logical3A_334 : vector<16xi32>
    %swap3A_336 = arith.constant 1 : i32
    %swap3A_337 = arith.index_cast %swap3A_336 : i32 to index
    %swap3A_338 = arith.constant 80 : index
    %swap3A_339 = tpu.vector_load %arg8[%swap3A_337, %swap3A_338] {strides = array<i32>} : memref<2x128xi32, #tpu.memory_space<vmem>>, vector<1x16xi32>,
    %swap3A_340 = vector.shape_cast %swap3A_339 : vector<1x16xi32> to vector<16xi32>
    %swap3A_341 = vector.shape_cast %shift_right_logical3A_335 : vector<16xi32> to vector<1x16xi32>
    tpu.vector_store %arg8[%swap3A_337, %swap3A_338], %swap3A_341 {strides = array<i32>} : memref<2x128xi32, #tpu.memory_space<vmem>>, vector<1x16xi32>,
    %and3A_342 = arith.constant 65535 : i32
    %and3A_343 = vector.broadcast %and3A_342 : i32 to vector<16xi32>
    %and3A_344 = arith.andi %get3A_332, %and3A_343 : vector<16xi32>
    %swap3A_345 = arith.constant 1 : i32
    %swap3A_346 = arith.index_cast %swap3A_345 : i32 to index
    %swap3A_347 = arith.constant 80 : index
    %swap3A_348 = tpu.vector_load %arg9[%swap3A_346, %swap3A_347] {strides = array<i32>} : memref<2x128xi32, #tpu.memory_space<vmem>>, vector<1x16xi32>,
    %swap3A_349 = vector.shape_cast %swap3A_348 : vector<1x16xi32> to vector<16xi32>
    %swap3A_350 = vector.shape_cast %and3A_344 : vector<16xi32> to vector<1x16xi32>
    tpu.vector_store %arg9[%swap3A_346, %swap3A_347], %swap3A_350 {strides = array<i32>} : memref<2x128xi32, #tpu.memory_space<vmem>>, vector<1x16xi32>,
    %get3A_351 = arith.constant 1 : i32
    %get3A_352 = arith.index_cast %get3A_351 : i32 to index
    %get3A_353 = arith.constant 96 : index
    %get3A_354 = tpu.vector_load %arg7[%get3A_352, %get3A_353] {strides = array<i32>} : memref<160x128xi32, #tpu.memory_space<vmem>>, vector<1x16xi32>,
    %get3A_355 = vector.shape_cast %get3A_354 : vector<1x16xi32> to vector<16xi32>
    %shift_right_logical3A_356 = arith.constant 16 : i32
    %shift_right_logical3A_357 = vector.broadcast %shift_right_logical3A_356 : i32 to vector<16xi32>
    %shift_right_logical3A_358 = arith.shrui %get3A_355, %shift_right_logical3A_357 : vector<16xi32>
    %swap3A_359 = arith.constant 1 : i32
    %swap3A_360 = arith.index_cast %swap3A_359 : i32 to index
    %swap3A_361 = arith.constant 96 : index
    %swap3A_362 = tpu.vector_load %arg8[%swap3A_360, %swap3A_361] {strides = array<i32>} : memref<2x128xi32, #tpu.memory_space<vmem>>, vector<1x16xi32>,
    %swap3A_363 = vector.shape_cast %swap3A_362 : vector<1x16xi32> to vector<16xi32>
    %swap3A_364 = vector.shape_cast %shift_right_logical3A_358 : vector<16xi32> to vector<1x16xi32>
    tpu.vector_store %arg8[%swap3A_360, %swap3A_361], %swap3A_364 {strides = array<i32>} : memref<2x128xi32, #tpu.memory_space<vmem>>, vector<1x16xi32>,
    %and3A_365 = arith.constant 65535 : i32
    %and3A_366 = vector.broadcast %and3A_365 : i32 to vector<16xi32>
    %and3A_367 = arith.andi %get3A_355, %and3A_366 : vector<16xi32>
    %swap3A_368 = arith.constant 1 : i32
    %swap3A_369 = arith.index_cast %swap3A_368 : i32 to index
    %swap3A_370 = arith.constant 96 : index
    %swap3A_371 = tpu.vector_load %arg9[%swap3A_369, %swap3A_370] {strides = array<i32>} : memref<2x128xi32, #tpu.memory_space<vmem>>, vector<1x16xi32>,
    %swap3A_372 = vector.shape_cast %swap3A_371 : vector<1x16xi32> to vector<16xi32>
    %swap3A_373 = vector.shape_cast %and3A_367 : vector<16xi32> to vector<1x16xi32>
    tpu.vector_store %arg9[%swap3A_369, %swap3A_370], %swap3A_373 {strides = array<i32>} : memref<2x128xi32, #tpu.memory_space<vmem>>, vector<1x16xi32>,
    %get3A_374 = arith.constant 1 : i32
    %get3A_375 = arith.index_cast %get3A_374 : i32 to index
    %get3A_376 = arith.constant 112 : index
    %get3A_377 = tpu.vector_load %arg7[%get3A_375, %get3A_376] {strides = array<i32>} : memref<160x128xi32, #tpu.memory_space<vmem>>, vector<1x16xi32>,
    %get3A_378 = vector.shape_cast %get3A_377 : vector<1x16xi32> to vector<16xi32>
    %shift_right_logical3A_379 = arith.constant 16 : i32
    %shift_right_logical3A_380 = vector.broadcast %shift_right_logical3A_379 : i32 to vector<16xi32>
    %shift_right_logical3A_381 = arith.shrui %get3A_378, %shift_right_logical3A_380 : vector<16xi32>
    %swap3A_382 = arith.constant 1 : i32
    %swap3A_383 = arith.index_cast %swap3A_382 : i32 to index
    %swap3A_384 = arith.constant 112 : index
    %swap3A_385 = tpu.vector_load %arg8[%swap3A_383, %swap3A_384] {strides = array<i32>} : memref<2x128xi32, #tpu.memory_space<vmem>>, vector<1x16xi32>,
    %swap3A_386 = vector.shape_cast %swap3A_385 : vector<1x16xi32> to vector<16xi32>
    %swap3A_387 = vector.shape_cast %shift_right_logical3A_381 : vector<16xi32> to vector<1x16xi32>
    tpu.vector_store %arg8[%swap3A_383, %swap3A_384], %swap3A_387 {strides = array<i32>} : memref<2x128xi32, #tpu.memory_space<vmem>>, vector<1x16xi32>,
    %and3A_388 = arith.constant 65535 : i32
    %and3A_389 = vector.broadcast %and3A_388 : i32 to vector<16xi32>
    %and3A_390 = arith.andi %get3A_378, %and3A_389 : vector<16xi32>
    %swap3A_391 = arith.constant 1 : i32
    %swap3A_392 = arith.index_cast %swap3A_391 : i32 to index
    %swap3A_393 = arith.constant 112 : index
    %swap3A_394 = tpu.vector_load %arg9[%swap3A_392, %swap3A_393] {strides = array<i32>} : memref<2x128xi32, #tpu.memory_space<vmem>>, vector<1x16xi32>,
    %swap3A_395 = vector.shape_cast %swap3A_394 : vector<1x16xi32> to vector<16xi32>
    %swap3A_396 = vector.shape_cast %and3A_390 : vector<16xi32> to vector<1x16xi32>
    tpu.vector_store %arg9[%swap3A_392, %swap3A_393], %swap3A_396 {strides = array<i32>} : memref<2x128xi32, #tpu.memory_space<vmem>>, vector<1x16xi32>,
    %dma_start3A_397 = arith.constant 1 : i32
    %dma_start3A_398 = arith.constant 0 : i32
    %dma_start3A_399 = tpu.memref_slice %arg9[%dma_start3A_397, %dma_start3A_398] : memref<2x128xi32, #tpu.memory_space<vmem>> -> memref<1x128xi32, #tpu.memory_space<vmem>>
    %dma_start3A_400 = tpu.memref_squeeze %dma_start3A_399 : memref<1x128xi32, #tpu.memory_space<vmem>> -> memref<128xi32, #tpu.memory_space<vmem>>
    %dma_start3A_401 = arith.constant 0 : i32
    %dma_start3A_402 = arith.constant 0 : i32
    %dma_start3A_403 = tpu.memref_slice %arg12[%dma_start3A_401, %dma_start3A_402] : memref<10000x72xf32, #tpu.memory_space<vmem_shared>> -> memref<10000x72xf32, #tpu.memory_space<vmem_shared>>
    tpu.enqueue_indirect_dma source(%dma_start3A_403 : memref<10000x72xf32, #tpu.memory_space<vmem_shared>>) target(%arg11 : memref<128x72xf32, #tpu.memory_space<vmem>>) offsets(%dma_start3A_400 : memref<128xi32, #tpu.memory_space<vmem>>) semaphore(%arg15 : memref<!tpu.dma_semaphore, #tpu.memory_space<semaphore_mem>>)
    %scan3A = arith.constant 0 : i32
    %scan3A_404 = arith.constant 0 : i32
    %scan3A_405 = arith.constant 79 : i32
    %scan3A_406 = arith.addi %scan3A_404, %scan3A_405 : i32
    %scan3A_407 = arith.constant 1 : i32
    scf.for %scan3A_691 = %scan3A_404 to %scan3A_406 step %scan3A_407  : i32 {
      %mul3A_692 = arith.constant 2 : i32
      %mul3A_693 = arith.muli %scan3A_691, %mul3A_692 : i32
      %add3A_694 = arith.constant 0 : i32
      %add3A_695 = arith.addi %mul3A_693, %add3A_694 : i32
      %dma_wait3A_696 = arith.constant 0 : i32
      %dma_wait3A_697 = arith.constant 0 : i32
      %dma_wait3A_698 = tpu.memref_slice %arg9[%dma_wait3A_696, %dma_wait3A_697] : memref<2x128xi32, #tpu.memory_space<vmem>> -> memref<1x128xi32, #tpu.memory_space<vmem>>
      %dma_wait3A_699 = tpu.memref_squeeze %dma_wait3A_698 : memref<1x128xi32, #tpu.memory_space<vmem>> -> memref<128xi32, #tpu.memory_space<vmem>>
      %dma_wait3A_700 = arith.constant 0 : i32
      %dma_wait3A_701 = arith.constant 0 : i32
      %dma_wait3A_702 = tpu.memref_slice %arg12[%dma_wait3A_700, %dma_wait3A_701] : memref<10000x72xf32, #tpu.memory_space<vmem_shared>> -> memref<10000x72xf32, #tpu.memory_space<vmem_shared>>
      tpu.wait_indirect_dma semaphore(%arg14 : memref<!tpu.dma_semaphore, #tpu.memory_space<semaphore_mem>>) src(%dma_wait3A_702 : memref<10000x72xf32, #tpu.memory_space<vmem_shared>>) dst(%arg10 : memref<128x72xf32, #tpu.memory_space<vmem>>)
      %dma_start3A_703 = arith.constant 0 : i32
      %dma_start3A_704 = arith.constant 0 : i32
      %dma_start3A_705 = tpu.memref_slice %arg8[%dma_start3A_703, %dma_start3A_704] : memref<2x128xi32, #tpu.memory_space<vmem>> -> memref<1x128xi32, #tpu.memory_space<vmem>>
      %dma_start3A_706 = tpu.memref_squeeze %dma_start3A_705 : memref<1x128xi32, #tpu.memory_space<vmem>> -> memref<128xi32, #tpu.memory_space<vmem>>
      %dma_start3A_707 = arith.constant 0 : i32
      %dma_start3A_708 = arith.constant 0 : i32
      %dma_start3A_709 = tpu.memref_slice %arg13[%dma_start3A_707, %dma_start3A_708] : memref<10240x72xf32, #tpu.memory_space<vmem_shared>> -> memref<10240x72xf32, #tpu.memory_space<vmem_shared>>
      tpu.enqueue_indirect_dma source(%arg10 : memref<128x72xf32, #tpu.memory_space<vmem>>) target(%dma_start3A_709 : memref<10240x72xf32, #tpu.memory_space<vmem_shared>>) offsets(%dma_start3A_706 : memref<128xi32, #tpu.memory_space<vmem>>) semaphore(%arg16 : memref<!tpu.dma_semaphore, #tpu.memory_space<semaphore_mem>>) {add = true}
      %add3A_710 = arith.constant 1 : i32
      %add3A_711 = arith.addi %mul3A_693, %add3A_710 : i32
      %dma_wait3A_712 = arith.constant 1 : i32
      %dma_wait3A_713 = arith.constant 0 : i32
      %dma_wait3A_714 = tpu.memref_slice %arg9[%dma_wait3A_712, %dma_wait3A_713] : memref<2x128xi32, #tpu.memory_space<vmem>> -> memref<1x128xi32, #tpu.memory_space<vmem>>
      %dma_wait3A_715 = tpu.memref_squeeze %dma_wait3A_714 : memref<1x128xi32, #tpu.memory_space<vmem>> -> memref<128xi32, #tpu.memory_space<vmem>>
      %dma_wait3A_716 = arith.constant 0 : i32
      %dma_wait3A_717 = arith.constant 0 : i32
      %dma_wait3A_718 = tpu.memref_slice %arg12[%dma_wait3A_716, %dma_wait3A_717] : memref<10000x72xf32, #tpu.memory_space<vmem_shared>> -> memref<10000x72xf32, #tpu.memory_space<vmem_shared>>
      tpu.wait_indirect_dma semaphore(%arg15 : memref<!tpu.dma_semaphore, #tpu.memory_space<semaphore_mem>>) src(%dma_wait3A_718 : memref<10000x72xf32, #tpu.memory_space<vmem_shared>>) dst(%arg11 : memref<128x72xf32, #tpu.memory_space<vmem>>)
      %dma_start3A_719 = arith.constant 1 : i32
      %dma_start3A_720 = arith.constant 0 : i32
      %dma_start3A_721 = tpu.memref_slice %arg8[%dma_start3A_719, %dma_start3A_720] : memref<2x128xi32, #tpu.memory_space<vmem>> -> memref<1x128xi32, #tpu.memory_space<vmem>>
      %dma_start3A_722 = tpu.memref_squeeze %dma_start3A_721 : memref<1x128xi32, #tpu.memory_space<vmem>> -> memref<128xi32, #tpu.memory_space<vmem>>
      %dma_start3A_723 = arith.constant 0 : i32
      %dma_start3A_724 = arith.constant 0 : i32
      %dma_start3A_725 = tpu.memref_slice %arg13[%dma_start3A_723, %dma_start3A_724] : memref<10240x72xf32, #tpu.memory_space<vmem_shared>> -> memref<10240x72xf32, #tpu.memory_space<vmem_shared>>
      tpu.enqueue_indirect_dma source(%arg11 : memref<128x72xf32, #tpu.memory_space<vmem>>) target(%dma_start3A_725 : memref<10240x72xf32, #tpu.memory_space<vmem_shared>>) offsets(%dma_start3A_722 : memref<128xi32, #tpu.memory_space<vmem>>) semaphore(%arg17 : memref<!tpu.dma_semaphore, #tpu.memory_space<semaphore_mem>>) {add = true}
      %add3A_726 = arith.constant 0 : i32
      %add3A_727 = arith.addi %mul3A_693, %add3A_726 : i32
      %dma_wait3A_728 = arith.constant 0 : i32
      %dma_wait3A_729 = arith.constant 0 : i32
      %dma_wait3A_730 = tpu.memref_slice %arg8[%dma_wait3A_728, %dma_wait3A_729] : memref<2x128xi32, #tpu.memory_space<vmem>> -> memref<1x128xi32, #tpu.memory_space<vmem>>
      %dma_wait3A_731 = tpu.memref_squeeze %dma_wait3A_730 : memref<1x128xi32, #tpu.memory_space<vmem>> -> memref<128xi32, #tpu.memory_space<vmem>>
      %dma_wait3A_732 = arith.constant 0 : i32
      %dma_wait3A_733 = arith.constant 0 : i32
      %dma_wait3A_734 = tpu.memref_slice %arg13[%dma_wait3A_732, %dma_wait3A_733] : memref<10240x72xf32, #tpu.memory_space<vmem_shared>> -> memref<10240x72xf32, #tpu.memory_space<vmem_shared>>
      tpu.wait_indirect_dma semaphore(%arg16 : memref<!tpu.dma_semaphore, #tpu.memory_space<semaphore_mem>>) src(%arg10 : memref<128x72xf32, #tpu.memory_space<vmem>>) dst(%dma_wait3A_734 : memref<10240x72xf32, #tpu.memory_space<vmem_shared>>)
      %add3A_735 = arith.constant 2 : i32
      %add3A_736 = arith.addi %mul3A_693, %add3A_735 : i32
      %add3A_737 = arith.constant 0 : i32
      %add3A_738 = arith.addi %add3A_736, %add3A_737 : i32
      %get3A_739 = arith.index_cast %add3A_738 : i32 to index
      %get3A_740 = arith.constant 0 : index
      %get3A_741 = tpu.vector_load %arg7[%get3A_739, %get3A_740] {strides = array<i32>} : memref<160x128xi32, #tpu.memory_space<vmem>>, vector<1x16xi32>,
      %get3A_742 = vector.shape_cast %get3A_741 : vector<1x16xi32> to vector<16xi32>
      %shift_right_logical3A_743 = arith.constant 16 : i32
      %shift_right_logical3A_744 = vector.broadcast %shift_right_logical3A_743 : i32 to vector<16xi32>
      %shift_right_logical3A_745 = arith.shrui %get3A_742, %shift_right_logical3A_744 : vector<16xi32>
      %swap3A_746 = arith.constant 0 : i32
      %swap3A_747 = arith.index_cast %swap3A_746 : i32 to index
      %swap3A_748 = arith.constant 0 : index
      %swap3A_749 = tpu.vector_load %arg8[%swap3A_747, %swap3A_748] {strides = array<i32>} : memref<2x128xi32, #tpu.memory_space<vmem>>, vector<1x16xi32>,
      %swap3A_750 = vector.shape_cast %swap3A_749 : vector<1x16xi32> to vector<16xi32>
      %swap3A_751 = vector.shape_cast %shift_right_logical3A_745 : vector<16xi32> to vector<1x16xi32>
      tpu.vector_store %arg8[%swap3A_747, %swap3A_748], %swap3A_751 {strides = array<i32>} : memref<2x128xi32, #tpu.memory_space<vmem>>, vector<1x16xi32>,
      %and3A_752 = arith.constant 65535 : i32
      %and3A_753 = vector.broadcast %and3A_752 : i32 to vector<16xi32>
      %and3A_754 = arith.andi %get3A_742, %and3A_753 : vector<16xi32>
      %swap3A_755 = arith.constant 0 : i32
      %swap3A_756 = arith.index_cast %swap3A_755 : i32 to index
      %swap3A_757 = arith.constant 0 : index
      %swap3A_758 = tpu.vector_load %arg9[%swap3A_756, %swap3A_757] {strides = array<i32>} : memref<2x128xi32, #tpu.memory_space<vmem>>, vector<1x16xi32>,
      %swap3A_759 = vector.shape_cast %swap3A_758 : vector<1x16xi32> to vector<16xi32>
      %swap3A_760 = vector.shape_cast %and3A_754 : vector<16xi32> to vector<1x16xi32>
      tpu.vector_store %arg9[%swap3A_756, %swap3A_757], %swap3A_760 {strides = array<i32>} : memref<2x128xi32, #tpu.memory_space<vmem>>, vector<1x16xi32>,
      %get3A_761 = arith.index_cast %add3A_738 : i32 to index
      %get3A_762 = arith.constant 16 : index
      %get3A_763 = tpu.vector_load %arg7[%get3A_761, %get3A_762] {strides = array<i32>} : memref<160x128xi32, #tpu.memory_space<vmem>>, vector<1x16xi32>,
      %get3A_764 = vector.shape_cast %get3A_763 : vector<1x16xi32> to vector<16xi32>
      %shift_right_logical3A_765 = arith.constant 16 : i32
      %shift_right_logical3A_766 = vector.broadcast %shift_right_logical3A_765 : i32 to vector<16xi32>
      %shift_right_logical3A_767 = arith.shrui %get3A_764, %shift_right_logical3A_766 : vector<16xi32>
      %swap3A_768 = arith.constant 0 : i32
      %swap3A_769 = arith.index_cast %swap3A_768 : i32 to index
      %swap3A_770 = arith.constant 16 : index
      %swap3A_771 = tpu.vector_load %arg8[%swap3A_769, %swap3A_770] {strides = array<i32>} : memref<2x128xi32, #tpu.memory_space<vmem>>, vector<1x16xi32>,
      %swap3A_772 = vector.shape_cast %swap3A_771 : vector<1x16xi32> to vector<16xi32>
      %swap3A_773 = vector.shape_cast %shift_right_logical3A_767 : vector<16xi32> to vector<1x16xi32>
      tpu.vector_store %arg8[%swap3A_769, %swap3A_770], %swap3A_773 {strides = array<i32>} : memref<2x128xi32, #tpu.memory_space<vmem>>, vector<1x16xi32>,
      %and3A_774 = arith.constant 65535 : i32
      %and3A_775 = vector.broadcast %and3A_774 : i32 to vector<16xi32>
      %and3A_776 = arith.andi %get3A_764, %and3A_775 : vector<16xi32>
      %swap3A_777 = arith.constant 0 : i32
      %swap3A_778 = arith.index_cast %swap3A_777 : i32 to index
      %swap3A_779 = arith.constant 16 : index
      %swap3A_780 = tpu.vector_load %arg9[%swap3A_778, %swap3A_779] {strides = array<i32>} : memref<2x128xi32, #tpu.memory_space<vmem>>, vector<1x16xi32>,
      %swap3A_781 = vector.shape_cast %swap3A_780 : vector<1x16xi32> to vector<16xi32>
      %swap3A_782 = vector.shape_cast %and3A_776 : vector<16xi32> to vector<1x16xi32>
      tpu.vector_store %arg9[%swap3A_778, %swap3A_779], %swap3A_782 {strides = array<i32>} : memref<2x128xi32, #tpu.memory_space<vmem>>, vector<1x16xi32>,
      %get3A_783 = arith.index_cast %add3A_738 : i32 to index
      %get3A_784 = arith.constant 32 : index
      %get3A_785 = tpu.vector_load %arg7[%get3A_783, %get3A_784] {strides = array<i32>} : memref<160x128xi32, #tpu.memory_space<vmem>>, vector<1x16xi32>,
      %get3A_786 = vector.shape_cast %get3A_785 : vector<1x16xi32> to vector<16xi32>
      %shift_right_logical3A_787 = arith.constant 16 : i32
      %shift_right_logical3A_788 = vector.broadcast %shift_right_logical3A_787 : i32 to vector<16xi32>
      %shift_right_logical3A_789 = arith.shrui %get3A_786, %shift_right_logical3A_788 : vector<16xi32>
      %swap3A_790 = arith.constant 0 : i32
      %swap3A_791 = arith.index_cast %swap3A_790 : i32 to index
      %swap3A_792 = arith.constant 32 : index
      %swap3A_793 = tpu.vector_load %arg8[%swap3A_791, %swap3A_792] {strides = array<i32>} : memref<2x128xi32, #tpu.memory_space<vmem>>, vector<1x16xi32>,
      %swap3A_794 = vector.shape_cast %swap3A_793 : vector<1x16xi32> to vector<16xi32>
      %swap3A_795 = vector.shape_cast %shift_right_logical3A_789 : vector<16xi32> to vector<1x16xi32>
      tpu.vector_store %arg8[%swap3A_791, %swap3A_792], %swap3A_795 {strides = array<i32>} : memref<2x128xi32, #tpu.memory_space<vmem>>, vector<1x16xi32>,
      %and3A_796 = arith.constant 65535 : i32
      %and3A_797 = vector.broadcast %and3A_796 : i32 to vector<16xi32>
      %and3A_798 = arith.andi %get3A_786, %and3A_797 : vector<16xi32>
      %swap3A_799 = arith.constant 0 : i32
      %swap3A_800 = arith.index_cast %swap3A_799 : i32 to index
      %swap3A_801 = arith.constant 32 : index
      %swap3A_802 = tpu.vector_load %arg9[%swap3A_800, %swap3A_801] {strides = array<i32>} : memref<2x128xi32, #tpu.memory_space<vmem>>, vector<1x16xi32>,
      %swap3A_803 = vector.shape_cast %swap3A_802 : vector<1x16xi32> to vector<16xi32>
      %swap3A_804 = vector.shape_cast %and3A_798 : vector<16xi32> to vector<1x16xi32>
      tpu.vector_store %arg9[%swap3A_800, %swap3A_801], %swap3A_804 {strides = array<i32>} : memref<2x128xi32, #tpu.memory_space<vmem>>, vector<1x16xi32>,
      %get3A_805 = arith.index_cast %add3A_738 : i32 to index
      %get3A_806 = arith.constant 48 : index
      %get3A_807 = tpu.vector_load %arg7[%get3A_805, %get3A_806] {strides = array<i32>} : memref<160x128xi32, #tpu.memory_space<vmem>>, vector<1x16xi32>,
      %get3A_808 = vector.shape_cast %get3A_807 : vector<1x16xi32> to vector<16xi32>
      %shift_right_logical3A_809 = arith.constant 16 : i32
      %shift_right_logical3A_810 = vector.broadcast %shift_right_logical3A_809 : i32 to vector<16xi32>
      %shift_right_logical3A_811 = arith.shrui %get3A_808, %shift_right_logical3A_810 : vector<16xi32>
      %swap3A_812 = arith.constant 0 : i32
      %swap3A_813 = arith.index_cast %swap3A_812 : i32 to index
      %swap3A_814 = arith.constant 48 : index
      %swap3A_815 = tpu.vector_load %arg8[%swap3A_813, %swap3A_814] {strides = array<i32>} : memref<2x128xi32, #tpu.memory_space<vmem>>, vector<1x16xi32>,
      %swap3A_816 = vector.shape_cast %swap3A_815 : vector<1x16xi32> to vector<16xi32>
      %swap3A_817 = vector.shape_cast %shift_right_logical3A_811 : vector<16xi32> to vector<1x16xi32>
      tpu.vector_store %arg8[%swap3A_813, %swap3A_814], %swap3A_817 {strides = array<i32>} : memref<2x128xi32, #tpu.memory_space<vmem>>, vector<1x16xi32>,
      %and3A_818 = arith.constant 65535 : i32
      %and3A_819 = vector.broadcast %and3A_818 : i32 to vector<16xi32>
      %and3A_820 = arith.andi %get3A_808, %and3A_819 : vector<16xi32>
      %swap3A_821 = arith.constant 0 : i32
      %swap3A_822 = arith.index_cast %swap3A_821 : i32 to index
      %swap3A_823 = arith.constant 48 : index
      %swap3A_824 = tpu.vector_load %arg9[%swap3A_822, %swap3A_823] {strides = array<i32>} : memref<2x128xi32, #tpu.memory_space<vmem>>, vector<1x16xi32>,
      %swap3A_825 = vector.shape_cast %swap3A_824 : vector<1x16xi32> to vector<16xi32>
      %swap3A_826 = vector.shape_cast %and3A_820 : vector<16xi32> to vector<1x16xi32>
      tpu.vector_store %arg9[%swap3A_822, %swap3A_823], %swap3A_826 {strides = array<i32>} : memref<2x128xi32, #tpu.memory_space<vmem>>, vector<1x16xi32>,
      %get3A_827 = arith.index_cast %add3A_738 : i32 to index
      %get3A_828 = arith.constant 64 : index
      %get3A_829 = tpu.vector_load %arg7[%get3A_827, %get3A_828] {strides = array<i32>} : memref<160x128xi32, #tpu.memory_space<vmem>>, vector<1x16xi32>,
      %get3A_830 = vector.shape_cast %get3A_829 : vector<1x16xi32> to vector<16xi32>
      %shift_right_logical3A_831 = arith.constant 16 : i32
      %shift_right_logical3A_832 = vector.broadcast %shift_right_logical3A_831 : i32 to vector<16xi32>
      %shift_right_logical3A_833 = arith.shrui %get3A_830, %shift_right_logical3A_832 : vector<16xi32>
      %swap3A_834 = arith.constant 0 : i32
      %swap3A_835 = arith.index_cast %swap3A_834 : i32 to index
      %swap3A_836 = arith.constant 64 : index
      %swap3A_837 = tpu.vector_load %arg8[%swap3A_835, %swap3A_836] {strides = array<i32>} : memref<2x128xi32, #tpu.memory_space<vmem>>, vector<1x16xi32>,
      %swap3A_838 = vector.shape_cast %swap3A_837 : vector<1x16xi32> to vector<16xi32>
      %swap3A_839 = vector.shape_cast %shift_right_logical3A_833 : vector<16xi32> to vector<1x16xi32>
      tpu.vector_store %arg8[%swap3A_835, %swap3A_836], %swap3A_839 {strides = array<i32>} : memref<2x128xi32, #tpu.memory_space<vmem>>, vector<1x16xi32>,
      %and3A_840 = arith.constant 65535 : i32
      %and3A_841 = vector.broadcast %and3A_840 : i32 to vector<16xi32>
      %and3A_842 = arith.andi %get3A_830, %and3A_841 : vector<16xi32>
      %swap3A_843 = arith.constant 0 : i32
      %swap3A_844 = arith.index_cast %swap3A_843 : i32 to index
      %swap3A_845 = arith.constant 64 : index
      %swap3A_846 = tpu.vector_load %arg9[%swap3A_844, %swap3A_845] {strides = array<i32>} : memref<2x128xi32, #tpu.memory_space<vmem>>, vector<1x16xi32>,
      %swap3A_847 = vector.shape_cast %swap3A_846 : vector<1x16xi32> to vector<16xi32>
      %swap3A_848 = vector.shape_cast %and3A_842 : vector<16xi32> to vector<1x16xi32>
      tpu.vector_store %arg9[%swap3A_844, %swap3A_845], %swap3A_848 {strides = array<i32>} : memref<2x128xi32, #tpu.memory_space<vmem>>, vector<1x16xi32>,
      %get3A_849 = arith.index_cast %add3A_738 : i32 to index
      %get3A_850 = arith.constant 80 : index
      %get3A_851 = tpu.vector_load %arg7[%get3A_849, %get3A_850] {strides = array<i32>} : memref<160x128xi32, #tpu.memory_space<vmem>>, vector<1x16xi32>,
      %get3A_852 = vector.shape_cast %get3A_851 : vector<1x16xi32> to vector<16xi32>
      %shift_right_logical3A_853 = arith.constant 16 : i32
      %shift_right_logical3A_854 = vector.broadcast %shift_right_logical3A_853 : i32 to vector<16xi32>
      %shift_right_logical3A_855 = arith.shrui %get3A_852, %shift_right_logical3A_854 : vector<16xi32>
      %swap3A_856 = arith.constant 0 : i32
      %swap3A_857 = arith.index_cast %swap3A_856 : i32 to index
      %swap3A_858 = arith.constant 80 : index
      %swap3A_859 = tpu.vector_load %arg8[%swap3A_857, %swap3A_858] {strides = array<i32>} : memref<2x128xi32, #tpu.memory_space<vmem>>, vector<1x16xi32>,
      %swap3A_860 = vector.shape_cast %swap3A_859 : vector<1x16xi32> to vector<16xi32>
      %swap3A_861 = vector.shape_cast %shift_right_logical3A_855 : vector<16xi32> to vector<1x16xi32>
      tpu.vector_store %arg8[%swap3A_857, %swap3A_858], %swap3A_861 {strides = array<i32>} : memref<2x128xi32, #tpu.memory_space<vmem>>, vector<1x16xi32>,
      %and3A_862 = arith.constant 65535 : i32
      %and3A_863 = vector.broadcast %and3A_862 : i32 to vector<16xi32>
      %and3A_864 = arith.andi %get3A_852, %and3A_863 : vector<16xi32>
      %swap3A_865 = arith.constant 0 : i32
      %swap3A_866 = arith.index_cast %swap3A_865 : i32 to index
      %swap3A_867 = arith.constant 80 : index
      %swap3A_868 = tpu.vector_load %arg9[%swap3A_866, %swap3A_867] {strides = array<i32>} : memref<2x128xi32, #tpu.memory_space<vmem>>, vector<1x16xi32>,
      %swap3A_869 = vector.shape_cast %swap3A_868 : vector<1x16xi32> to vector<16xi32>
      %swap3A_870 = vector.shape_cast %and3A_864 : vector<16xi32> to vector<1x16xi32>
      tpu.vector_store %arg9[%swap3A_866, %swap3A_867], %swap3A_870 {strides = array<i32>} : memref<2x128xi32, #tpu.memory_space<vmem>>, vector<1x16xi32>,
      %get3A_871 = arith.index_cast %add3A_738 : i32 to index
      %get3A_872 = arith.constant 96 : index
      %get3A_873 = tpu.vector_load %arg7[%get3A_871, %get3A_872] {strides = array<i32>} : memref<160x128xi32, #tpu.memory_space<vmem>>, vector<1x16xi32>,
      %get3A_874 = vector.shape_cast %get3A_873 : vector<1x16xi32> to vector<16xi32>
      %shift_right_logical3A_875 = arith.constant 16 : i32
      %shift_right_logical3A_876 = vector.broadcast %shift_right_logical3A_875 : i32 to vector<16xi32>
      %shift_right_logical3A_877 = arith.shrui %get3A_874, %shift_right_logical3A_876 : vector<16xi32>
      %swap3A_878 = arith.constant 0 : i32
      %swap3A_879 = arith.index_cast %swap3A_878 : i32 to index
      %swap3A_880 = arith.constant 96 : index
      %swap3A_881 = tpu.vector_load %arg8[%swap3A_879, %swap3A_880] {strides = array<i32>} : memref<2x128xi32, #tpu.memory_space<vmem>>, vector<1x16xi32>,
      %swap3A_882 = vector.shape_cast %swap3A_881 : vector<1x16xi32> to vector<16xi32>
      %swap3A_883 = vector.shape_cast %shift_right_logical3A_877 : vector<16xi32> to vector<1x16xi32>
      tpu.vector_store %arg8[%swap3A_879, %swap3A_880], %swap3A_883 {strides = array<i32>} : memref<2x128xi32, #tpu.memory_space<vmem>>, vector<1x16xi32>,
      %and3A_884 = arith.constant 65535 : i32
      %and3A_885 = vector.broadcast %and3A_884 : i32 to vector<16xi32>
      %and3A_886 = arith.andi %get3A_874, %and3A_885 : vector<16xi32>
      %swap3A_887 = arith.constant 0 : i32
      %swap3A_888 = arith.index_cast %swap3A_887 : i32 to index
      %swap3A_889 = arith.constant 96 : index
      %swap3A_890 = tpu.vector_load %arg9[%swap3A_888, %swap3A_889] {strides = array<i32>} : memref<2x128xi32, #tpu.memory_space<vmem>>, vector<1x16xi32>,
      %swap3A_891 = vector.shape_cast %swap3A_890 : vector<1x16xi32> to vector<16xi32>
      %swap3A_892 = vector.shape_cast %and3A_886 : vector<16xi32> to vector<1x16xi32>
      tpu.vector_store %arg9[%swap3A_888, %swap3A_889], %swap3A_892 {strides = array<i32>} : memref<2x128xi32, #tpu.memory_space<vmem>>, vector<1x16xi32>,
      %get3A_893 = arith.index_cast %add3A_738 : i32 to index
      %get3A_894 = arith.constant 112 : index
      %get3A_895 = tpu.vector_load %arg7[%get3A_893, %get3A_894] {strides = array<i32>} : memref<160x128xi32, #tpu.memory_space<vmem>>, vector<1x16xi32>,
      %get3A_896 = vector.shape_cast %get3A_895 : vector<1x16xi32> to vector<16xi32>
      %shift_right_logical3A_897 = arith.constant 16 : i32
      %shift_right_logical3A_898 = vector.broadcast %shift_right_logical3A_897 : i32 to vector<16xi32>
      %shift_right_logical3A_899 = arith.shrui %get3A_896, %shift_right_logical3A_898 : vector<16xi32>
      %swap3A_900 = arith.constant 0 : i32
      %swap3A_901 = arith.index_cast %swap3A_900 : i32 to index
      %swap3A_902 = arith.constant 112 : index
      %swap3A_903 = tpu.vector_load %arg8[%swap3A_901, %swap3A_902] {strides = array<i32>} : memref<2x128xi32, #tpu.memory_space<vmem>>, vector<1x16xi32>,
      %swap3A_904 = vector.shape_cast %swap3A_903 : vector<1x16xi32> to vector<16xi32>
      %swap3A_905 = vector.shape_cast %shift_right_logical3A_899 : vector<16xi32> to vector<1x16xi32>
      tpu.vector_store %arg8[%swap3A_901, %swap3A_902], %swap3A_905 {strides = array<i32>} : memref<2x128xi32, #tpu.memory_space<vmem>>, vector<1x16xi32>,
      %and3A_906 = arith.constant 65535 : i32
      %and3A_907 = vector.broadcast %and3A_906 : i32 to vector<16xi32>
      %and3A_908 = arith.andi %get3A_896, %and3A_907 : vector<16xi32>
      %swap3A_909 = arith.constant 0 : i32
      %swap3A_910 = arith.index_cast %swap3A_909 : i32 to index
      %swap3A_911 = arith.constant 112 : index
      %swap3A_912 = tpu.vector_load %arg9[%swap3A_910, %swap3A_911] {strides = array<i32>} : memref<2x128xi32, #tpu.memory_space<vmem>>, vector<1x16xi32>,
      %swap3A_913 = vector.shape_cast %swap3A_912 : vector<1x16xi32> to vector<16xi32>
      %swap3A_914 = vector.shape_cast %and3A_908 : vector<16xi32> to vector<1x16xi32>
      tpu.vector_store %arg9[%swap3A_910, %swap3A_911], %swap3A_914 {strides = array<i32>} : memref<2x128xi32, #tpu.memory_space<vmem>>, vector<1x16xi32>,
      %dma_start3A_915 = arith.constant 0 : i32
      %dma_start3A_916 = arith.constant 0 : i32
      %dma_start3A_917 = tpu.memref_slice %arg9[%dma_start3A_915, %dma_start3A_916] : memref<2x128xi32, #tpu.memory_space<vmem>> -> memref<1x128xi32, #tpu.memory_space<vmem>>
      %dma_start3A_918 = tpu.memref_squeeze %dma_start3A_917 : memref<1x128xi32, #tpu.memory_space<vmem>> -> memref<128xi32, #tpu.memory_space<vmem>>
      %dma_start3A_919 = arith.constant 0 : i32
      %dma_start3A_920 = arith.constant 0 : i32
      %dma_start3A_921 = tpu.memref_slice %arg12[%dma_start3A_919, %dma_start3A_920] : memref<10000x72xf32, #tpu.memory_space<vmem_shared>> -> memref<10000x72xf32, #tpu.memory_space<vmem_shared>>
      tpu.enqueue_indirect_dma source(%dma_start3A_921 : memref<10000x72xf32, #tpu.memory_space<vmem_shared>>) target(%arg10 : memref<128x72xf32, #tpu.memory_space<vmem>>) offsets(%dma_start3A_918 : memref<128xi32, #tpu.memory_space<vmem>>) semaphore(%arg14 : memref<!tpu.dma_semaphore, #tpu.memory_space<semaphore_mem>>)
      %add3A_922 = arith.constant 1 : i32
      %add3A_923 = arith.addi %mul3A_693, %add3A_922 : i32
      %dma_wait3A_924 = arith.constant 1 : i32
      %dma_wait3A_925 = arith.constant 0 : i32
      %dma_wait3A_926 = tpu.memref_slice %arg8[%dma_wait3A_924, %dma_wait3A_925] : memref<2x128xi32, #tpu.memory_space<vmem>> -> memref<1x128xi32, #tpu.memory_space<vmem>>
      %dma_wait3A_927 = tpu.memref_squeeze %dma_wait3A_926 : memref<1x128xi32, #tpu.memory_space<vmem>> -> memref<128xi32, #tpu.memory_space<vmem>>
      %dma_wait3A_928 = arith.constant 0 : i32
      %dma_wait3A_929 = arith.constant 0 : i32
      %dma_wait3A_930 = tpu.memref_slice %arg13[%dma_wait3A_928, %dma_wait3A_929] : memref<10240x72xf32, #tpu.memory_space<vmem_shared>> -> memref<10240x72xf32, #tpu.memory_space<vmem_shared>>
      tpu.wait_indirect_dma semaphore(%arg17 : memref<!tpu.dma_semaphore, #tpu.memory_space<semaphore_mem>>) src(%arg11 : memref<128x72xf32, #tpu.memory_space<vmem>>) dst(%dma_wait3A_930 : memref<10240x72xf32, #tpu.memory_space<vmem_shared>>)
      %add3A_931 = arith.constant 2 : i32
      %add3A_932 = arith.addi %mul3A_693, %add3A_931 : i32
      %add3A_933 = arith.constant 1 : i32
      %add3A_934 = arith.addi %add3A_932, %add3A_933 : i32
      %get3A_935 = arith.index_cast %add3A_934 : i32 to index
      %get3A_936 = arith.constant 0 : index
      %get3A_937 = tpu.vector_load %arg7[%get3A_935, %get3A_936] {strides = array<i32>} : memref<160x128xi32, #tpu.memory_space<vmem>>, vector<1x16xi32>,
      %get3A_938 = vector.shape_cast %get3A_937 : vector<1x16xi32> to vector<16xi32>
      %shift_right_logical3A_939 = arith.constant 16 : i32
      %shift_right_logical3A_940 = vector.broadcast %shift_right_logical3A_939 : i32 to vector<16xi32>
      %shift_right_logical3A_941 = arith.shrui %get3A_938, %shift_right_logical3A_940 : vector<16xi32>
      %swap3A_942 = arith.constant 1 : i32
      %swap3A_943 = arith.index_cast %swap3A_942 : i32 to index
      %swap3A_944 = arith.constant 0 : index
      %swap3A_945 = tpu.vector_load %arg8[%swap3A_943, %swap3A_944] {strides = array<i32>} : memref<2x128xi32, #tpu.memory_space<vmem>>, vector<1x16xi32>,
      %swap3A_946 = vector.shape_cast %swap3A_945 : vector<1x16xi32> to vector<16xi32>
      %swap3A_947 = vector.shape_cast %shift_right_logical3A_941 : vector<16xi32> to vector<1x16xi32>
      tpu.vector_store %arg8[%swap3A_943, %swap3A_944], %swap3A_947 {strides = array<i32>} : memref<2x128xi32, #tpu.memory_space<vmem>>, vector<1x16xi32>,
      %and3A_948 = arith.constant 65535 : i32
      %and3A_949 = vector.broadcast %and3A_948 : i32 to vector<16xi32>
      %and3A_950 = arith.andi %get3A_938, %and3A_949 : vector<16xi32>
      %swap3A_951 = arith.constant 1 : i32
      %swap3A_952 = arith.index_cast %swap3A_951 : i32 to index
      %swap3A_953 = arith.constant 0 : index
      %swap3A_954 = tpu.vector_load %arg9[%swap3A_952, %swap3A_953] {strides = array<i32>} : memref<2x128xi32, #tpu.memory_space<vmem>>, vector<1x16xi32>,
      %swap3A_955 = vector.shape_cast %swap3A_954 : vector<1x16xi32> to vector<16xi32>
      %swap3A_956 = vector.shape_cast %and3A_950 : vector<16xi32> to vector<1x16xi32>
      tpu.vector_store %arg9[%swap3A_952, %swap3A_953], %swap3A_956 {strides = array<i32>} : memref<2x128xi32, #tpu.memory_space<vmem>>, vector<1x16xi32>,
      %get3A_957 = arith.index_cast %add3A_934 : i32 to index
      %get3A_958 = arith.constant 16 : index
      %get3A_959 = tpu.vector_load %arg7[%get3A_957, %get3A_958] {strides = array<i32>} : memref<160x128xi32, #tpu.memory_space<vmem>>, vector<1x16xi32>,
      %get3A_960 = vector.shape_cast %get3A_959 : vector<1x16xi32> to vector<16xi32>
      %shift_right_logical3A_961 = arith.constant 16 : i32
      %shift_right_logical3A_962 = vector.broadcast %shift_right_logical3A_961 : i32 to vector<16xi32>
      %shift_right_logical3A_963 = arith.shrui %get3A_960, %shift_right_logical3A_962 : vector<16xi32>
      %swap3A_964 = arith.constant 1 : i32
      %swap3A_965 = arith.index_cast %swap3A_964 : i32 to index
      %swap3A_966 = arith.constant 16 : index
      %swap3A_967 = tpu.vector_load %arg8[%swap3A_965, %swap3A_966] {strides = array<i32>} : memref<2x128xi32, #tpu.memory_space<vmem>>, vector<1x16xi32>,
      %swap3A_968 = vector.shape_cast %swap3A_967 : vector<1x16xi32> to vector<16xi32>
      %swap3A_969 = vector.shape_cast %shift_right_logical3A_963 : vector<16xi32> to vector<1x16xi32>
      tpu.vector_store %arg8[%swap3A_965, %swap3A_966], %swap3A_969 {strides = array<i32>} : memref<2x128xi32, #tpu.memory_space<vmem>>, vector<1x16xi32>,
      %and3A_970 = arith.constant 65535 : i32
      %and3A_971 = vector.broadcast %and3A_970 : i32 to vector<16xi32>
      %and3A_972 = arith.andi %get3A_960, %and3A_971 : vector<16xi32>
      %swap3A_973 = arith.constant 1 : i32
      %swap3A_974 = arith.index_cast %swap3A_973 : i32 to index
      %swap3A_975 = arith.constant 16 : index
      %swap3A_976 = tpu.vector_load %arg9[%swap3A_974, %swap3A_975] {strides = array<i32>} : memref<2x128xi32, #tpu.memory_space<vmem>>, vector<1x16xi32>,
      %swap3A_977 = vector.shape_cast %swap3A_976 : vector<1x16xi32> to vector<16xi32>
      %swap3A_978 = vector.shape_cast %and3A_972 : vector<16xi32> to vector<1x16xi32>
      tpu.vector_store %arg9[%swap3A_974, %swap3A_975], %swap3A_978 {strides = array<i32>} : memref<2x128xi32, #tpu.memory_space<vmem>>, vector<1x16xi32>,
      %get3A_979 = arith.index_cast %add3A_934 : i32 to index
      %get3A_980 = arith.constant 32 : index
      %get3A_981 = tpu.vector_load %arg7[%get3A_979, %get3A_980] {strides = array<i32>} : memref<160x128xi32, #tpu.memory_space<vmem>>, vector<1x16xi32>,
      %get3A_982 = vector.shape_cast %get3A_981 : vector<1x16xi32> to vector<16xi32>
      %shift_right_logical3A_983 = arith.constant 16 : i32
      %shift_right_logical3A_984 = vector.broadcast %shift_right_logical3A_983 : i32 to vector<16xi32>
      %shift_right_logical3A_985 = arith.shrui %get3A_982, %shift_right_logical3A_984 : vector<16xi32>
      %swap3A_986 = arith.constant 1 : i32
      %swap3A_987 = arith.index_cast %swap3A_986 : i32 to index
      %swap3A_988 = arith.constant 32 : index
      %swap3A_989 = tpu.vector_load %arg8[%swap3A_987, %swap3A_988] {strides = array<i32>} : memref<2x128xi32, #tpu.memory_space<vmem>>, vector<1x16xi32>,
      %swap3A_990 = vector.shape_cast %swap3A_989 : vector<1x16xi32> to vector<16xi32>
      %swap3A_991 = vector.shape_cast %shift_right_logical3A_985 : vector<16xi32> to vector<1x16xi32>
      tpu.vector_store %arg8[%swap3A_987, %swap3A_988], %swap3A_991 {strides = array<i32>} : memref<2x128xi32, #tpu.memory_space<vmem>>, vector<1x16xi32>,
      %and3A_992 = arith.constant 65535 : i32
      %and3A_993 = vector.broadcast %and3A_992 : i32 to vector<16xi32>
      %and3A_994 = arith.andi %get3A_982, %and3A_993 : vector<16xi32>
      %swap3A_995 = arith.constant 1 : i32
      %swap3A_996 = arith.index_cast %swap3A_995 : i32 to index
      %swap3A_997 = arith.constant 32 : index
      %swap3A_998 = tpu.vector_load %arg9[%swap3A_996, %swap3A_997] {strides = array<i32>} : memref<2x128xi32, #tpu.memory_space<vmem>>, vector<1x16xi32>,
      %swap3A_999 = vector.shape_cast %swap3A_998 : vector<1x16xi32> to vector<16xi32>
      %swap3A_1000 = vector.shape_cast %and3A_994 : vector<16xi32> to vector<1x16xi32>
      tpu.vector_store %arg9[%swap3A_996, %swap3A_997], %swap3A_1000 {strides = array<i32>} : memref<2x128xi32, #tpu.memory_space<vmem>>, vector<1x16xi32>,
      %get3A_1001 = arith.index_cast %add3A_934 : i32 to index
      %get3A_1002 = arith.constant 48 : index
      %get3A_1003 = tpu.vector_load %arg7[%get3A_1001, %get3A_1002] {strides = array<i32>} : memref<160x128xi32, #tpu.memory_space<vmem>>, vector<1x16xi32>,
      %get3A_1004 = vector.shape_cast %get3A_1003 : vector<1x16xi32> to vector<16xi32>
      %shift_right_logical3A_1005 = arith.constant 16 : i32
      %shift_right_logical3A_1006 = vector.broadcast %shift_right_logical3A_1005 : i32 to vector<16xi32>
      %shift_right_logical3A_1007 = arith.shrui %get3A_1004, %shift_right_logical3A_1006 : vector<16xi32>
      %swap3A_1008 = arith.constant 1 : i32
      %swap3A_1009 = arith.index_cast %swap3A_1008 : i32 to index
      %swap3A_1010 = arith.constant 48 : index
      %swap3A_1011 = tpu.vector_load %arg8[%swap3A_1009, %swap3A_1010] {strides = array<i32>} : memref<2x128xi32, #tpu.memory_space<vmem>>, vector<1x16xi32>,
      %swap3A_1012 = vector.shape_cast %swap3A_1011 : vector<1x16xi32> to vector<16xi32>
      %swap3A_1013 = vector.shape_cast %shift_right_logical3A_1007 : vector<16xi32> to vector<1x16xi32>
      tpu.vector_store %arg8[%swap3A_1009, %swap3A_1010], %swap3A_1013 {strides = array<i32>} : memref<2x128xi32, #tpu.memory_space<vmem>>, vector<1x16xi32>,
      %and3A_1014 = arith.constant 65535 : i32
      %and3A_1015 = vector.broadcast %and3A_1014 : i32 to vector<16xi32>
      %and3A_1016 = arith.andi %get3A_1004, %and3A_1015 : vector<16xi32>
      %swap3A_1017 = arith.constant 1 : i32
      %swap3A_1018 = arith.index_cast %swap3A_1017 : i32 to index
      %swap3A_1019 = arith.constant 48 : index
      %swap3A_1020 = tpu.vector_load %arg9[%swap3A_1018, %swap3A_1019] {strides = array<i32>} : memref<2x128xi32, #tpu.memory_space<vmem>>, vector<1x16xi32>,
      %swap3A_1021 = vector.shape_cast %swap3A_1020 : vector<1x16xi32> to vector<16xi32>
      %swap3A_1022 = vector.shape_cast %and3A_1016 : vector<16xi32> to vector<1x16xi32>
      tpu.vector_store %arg9[%swap3A_1018, %swap3A_1019], %swap3A_1022 {strides = array<i32>} : memref<2x128xi32, #tpu.memory_space<vmem>>, vector<1x16xi32>,
      %get3A_1023 = arith.index_cast %add3A_934 : i32 to index
      %get3A_1024 = arith.constant 64 : index
      %get3A_1025 = tpu.vector_load %arg7[%get3A_1023, %get3A_1024] {strides = array<i32>} : memref<160x128xi32, #tpu.memory_space<vmem>>, vector<1x16xi32>,
      %get3A_1026 = vector.shape_cast %get3A_1025 : vector<1x16xi32> to vector<16xi32>
      %shift_right_logical3A_1027 = arith.constant 16 : i32
      %shift_right_logical3A_1028 = vector.broadcast %shift_right_logical3A_1027 : i32 to vector<16xi32>
      %shift_right_logical3A_1029 = arith.shrui %get3A_1026, %shift_right_logical3A_1028 : vector<16xi32>
      %swap3A_1030 = arith.constant 1 : i32
      %swap3A_1031 = arith.index_cast %swap3A_1030 : i32 to index
      %swap3A_1032 = arith.constant 64 : index
      %swap3A_1033 = tpu.vector_load %arg8[%swap3A_1031, %swap3A_1032] {strides = array<i32>} : memref<2x128xi32, #tpu.memory_space<vmem>>, vector<1x16xi32>,
      %swap3A_1034 = vector.shape_cast %swap3A_1033 : vector<1x16xi32> to vector<16xi32>
      %swap3A_1035 = vector.shape_cast %shift_right_logical3A_1029 : vector<16xi32> to vector<1x16xi32>
      tpu.vector_store %arg8[%swap3A_1031, %swap3A_1032], %swap3A_1035 {strides = array<i32>} : memref<2x128xi32, #tpu.memory_space<vmem>>, vector<1x16xi32>,
      %and3A_1036 = arith.constant 65535 : i32
      %and3A_1037 = vector.broadcast %and3A_1036 : i32 to vector<16xi32>
      %and3A_1038 = arith.andi %get3A_1026, %and3A_1037 : vector<16xi32>
      %swap3A_1039 = arith.constant 1 : i32
      %swap3A_1040 = arith.index_cast %swap3A_1039 : i32 to index
      %swap3A_1041 = arith.constant 64 : index
      %swap3A_1042 = tpu.vector_load %arg9[%swap3A_1040, %swap3A_1041] {strides = array<i32>} : memref<2x128xi32, #tpu.memory_space<vmem>>, vector<1x16xi32>,
      %swap3A_1043 = vector.shape_cast %swap3A_1042 : vector<1x16xi32> to vector<16xi32>
      %swap3A_1044 = vector.shape_cast %and3A_1038 : vector<16xi32> to vector<1x16xi32>
      tpu.vector_store %arg9[%swap3A_1040, %swap3A_1041], %swap3A_1044 {strides = array<i32>} : memref<2x128xi32, #tpu.memory_space<vmem>>, vector<1x16xi32>,
      %get3A_1045 = arith.index_cast %add3A_934 : i32 to index
      %get3A_1046 = arith.constant 80 : index
      %get3A_1047 = tpu.vector_load %arg7[%get3A_1045, %get3A_1046] {strides = array<i32>} : memref<160x128xi32, #tpu.memory_space<vmem>>, vector<1x16xi32>,
      %get3A_1048 = vector.shape_cast %get3A_1047 : vector<1x16xi32> to vector<16xi32>
      %shift_right_logical3A_1049 = arith.constant 16 : i32
      %shift_right_logical3A_1050 = vector.broadcast %shift_right_logical3A_1049 : i32 to vector<16xi32>
      %shift_right_logical3A_1051 = arith.shrui %get3A_1048, %shift_right_logical3A_1050 : vector<16xi32>
      %swap3A_1052 = arith.constant 1 : i32
      %swap3A_1053 = arith.index_cast %swap3A_1052 : i32 to index
      %swap3A_1054 = arith.constant 80 : index
      %swap3A_1055 = tpu.vector_load %arg8[%swap3A_1053, %swap3A_1054] {strides = array<i32>} : memref<2x128xi32, #tpu.memory_space<vmem>>, vector<1x16xi32>,
      %swap3A_1056 = vector.shape_cast %swap3A_1055 : vector<1x16xi32> to vector<16xi32>
      %swap3A_1057 = vector.shape_cast %shift_right_logical3A_1051 : vector<16xi32> to vector<1x16xi32>
      tpu.vector_store %arg8[%swap3A_1053, %swap3A_1054], %swap3A_1057 {strides = array<i32>} : memref<2x128xi32, #tpu.memory_space<vmem>>, vector<1x16xi32>,
      %and3A_1058 = arith.constant 65535 : i32
      %and3A_1059 = vector.broadcast %and3A_1058 : i32 to vector<16xi32>
      %and3A_1060 = arith.andi %get3A_1048, %and3A_1059 : vector<16xi32>
      %swap3A_1061 = arith.constant 1 : i32
      %swap3A_1062 = arith.index_cast %swap3A_1061 : i32 to index
      %swap3A_1063 = arith.constant 80 : index
      %swap3A_1064 = tpu.vector_load %arg9[%swap3A_1062, %swap3A_1063] {strides = array<i32>} : memref<2x128xi32, #tpu.memory_space<vmem>>, vector<1x16xi32>,
      %swap3A_1065 = vector.shape_cast %swap3A_1064 : vector<1x16xi32> to vector<16xi32>
      %swap3A_1066 = vector.shape_cast %and3A_1060 : vector<16xi32> to vector<1x16xi32>
      tpu.vector_store %arg9[%swap3A_1062, %swap3A_1063], %swap3A_1066 {strides = array<i32>} : memref<2x128xi32, #tpu.memory_space<vmem>>, vector<1x16xi32>,
      %get3A_1067 = arith.index_cast %add3A_934 : i32 to index
      %get3A_1068 = arith.constant 96 : index
      %get3A_1069 = tpu.vector_load %arg7[%get3A_1067, %get3A_1068] {strides = array<i32>} : memref<160x128xi32, #tpu.memory_space<vmem>>, vector<1x16xi32>,
      %get3A_1070 = vector.shape_cast %get3A_1069 : vector<1x16xi32> to vector<16xi32>
      %shift_right_logical3A_1071 = arith.constant 16 : i32
      %shift_right_logical3A_1072 = vector.broadcast %shift_right_logical3A_1071 : i32 to vector<16xi32>
      %shift_right_logical3A_1073 = arith.shrui %get3A_1070, %shift_right_logical3A_1072 : vector<16xi32>
      %swap3A_1074 = arith.constant 1 : i32
      %swap3A_1075 = arith.index_cast %swap3A_1074 : i32 to index
      %swap3A_1076 = arith.constant 96 : index
      %swap3A_1077 = tpu.vector_load %arg8[%swap3A_1075, %swap3A_1076] {strides = array<i32>} : memref<2x128xi32, #tpu.memory_space<vmem>>, vector<1x16xi32>,
      %swap3A_1078 = vector.shape_cast %swap3A_1077 : vector<1x16xi32> to vector<16xi32>
      %swap3A_1079 = vector.shape_cast %shift_right_logical3A_1073 : vector<16xi32> to vector<1x16xi32>
      tpu.vector_store %arg8[%swap3A_1075, %swap3A_1076], %swap3A_1079 {strides = array<i32>} : memref<2x128xi32, #tpu.memory_space<vmem>>, vector<1x16xi32>,
      %and3A_1080 = arith.constant 65535 : i32
      %and3A_1081 = vector.broadcast %and3A_1080 : i32 to vector<16xi32>
      %and3A_1082 = arith.andi %get3A_1070, %and3A_1081 : vector<16xi32>
      %swap3A_1083 = arith.constant 1 : i32
      %swap3A_1084 = arith.index_cast %swap3A_1083 : i32 to index
      %swap3A_1085 = arith.constant 96 : index
      %swap3A_1086 = tpu.vector_load %arg9[%swap3A_1084, %swap3A_1085] {strides = array<i32>} : memref<2x128xi32, #tpu.memory_space<vmem>>, vector<1x16xi32>,
      %swap3A_1087 = vector.shape_cast %swap3A_1086 : vector<1x16xi32> to vector<16xi32>
      %swap3A_1088 = vector.shape_cast %and3A_1082 : vector<16xi32> to vector<1x16xi32>
      tpu.vector_store %arg9[%swap3A_1084, %swap3A_1085], %swap3A_1088 {strides = array<i32>} : memref<2x128xi32, #tpu.memory_space<vmem>>, vector<1x16xi32>,
      %get3A_1089 = arith.index_cast %add3A_934 : i32 to index
      %get3A_1090 = arith.constant 112 : index
      %get3A_1091 = tpu.vector_load %arg7[%get3A_1089, %get3A_1090] {strides = array<i32>} : memref<160x128xi32, #tpu.memory_space<vmem>>, vector<1x16xi32>,
      %get3A_1092 = vector.shape_cast %get3A_1091 : vector<1x16xi32> to vector<16xi32>
      %shift_right_logical3A_1093 = arith.constant 16 : i32
      %shift_right_logical3A_1094 = vector.broadcast %shift_right_logical3A_1093 : i32 to vector<16xi32>
      %shift_right_logical3A_1095 = arith.shrui %get3A_1092, %shift_right_logical3A_1094 : vector<16xi32>
      %swap3A_1096 = arith.constant 1 : i32
      %swap3A_1097 = arith.index_cast %swap3A_1096 : i32 to index
      %swap3A_1098 = arith.constant 112 : index
      %swap3A_1099 = tpu.vector_load %arg8[%swap3A_1097, %swap3A_1098] {strides = array<i32>} : memref<2x128xi32, #tpu.memory_space<vmem>>, vector<1x16xi32>,
      %swap3A_1100 = vector.shape_cast %swap3A_1099 : vector<1x16xi32> to vector<16xi32>
      %swap3A_1101 = vector.shape_cast %shift_right_logical3A_1095 : vector<16xi32> to vector<1x16xi32>
      tpu.vector_store %arg8[%swap3A_1097, %swap3A_1098], %swap3A_1101 {strides = array<i32>} : memref<2x128xi32, #tpu.memory_space<vmem>>, vector<1x16xi32>,
      %and3A_1102 = arith.constant 65535 : i32
      %and3A_1103 = vector.broadcast %and3A_1102 : i32 to vector<16xi32>
      %and3A_1104 = arith.andi %get3A_1092, %and3A_1103 : vector<16xi32>
      %swap3A_1105 = arith.constant 1 : i32
      %swap3A_1106 = arith.index_cast %swap3A_1105 : i32 to index
      %swap3A_1107 = arith.constant 112 : index
      %swap3A_1108 = tpu.vector_load %arg9[%swap3A_1106, %swap3A_1107] {strides = array<i32>} : memref<2x128xi32, #tpu.memory_space<vmem>>, vector<1x16xi32>,
      %swap3A_1109 = vector.shape_cast %swap3A_1108 : vector<1x16xi32> to vector<16xi32>
      %swap3A_1110 = vector.shape_cast %and3A_1104 : vector<16xi32> to vector<1x16xi32>
      tpu.vector_store %arg9[%swap3A_1106, %swap3A_1107], %swap3A_1110 {strides = array<i32>} : memref<2x128xi32, #tpu.memory_space<vmem>>, vector<1x16xi32>,
      %dma_start3A_1111 = arith.constant 1 : i32
      %dma_start3A_1112 = arith.constant 0 : i32
      %dma_start3A_1113 = tpu.memref_slice %arg9[%dma_start3A_1111, %dma_start3A_1112] : memref<2x128xi32, #tpu.memory_space<vmem>> -> memref<1x128xi32, #tpu.memory_space<vmem>>
      %dma_start3A_1114 = tpu.memref_squeeze %dma_start3A_1113 : memref<1x128xi32, #tpu.memory_space<vmem>> -> memref<128xi32, #tpu.memory_space<vmem>>
      %dma_start3A_1115 = arith.constant 0 : i32
      %dma_start3A_1116 = arith.constant 0 : i32
      %dma_start3A_1117 = tpu.memref_slice %arg12[%dma_start3A_1115, %dma_start3A_1116] : memref<10000x72xf32, #tpu.memory_space<vmem_shared>> -> memref<10000x72xf32, #tpu.memory_space<vmem_shared>>
      tpu.enqueue_indirect_dma source(%dma_start3A_1117 : memref<10000x72xf32, #tpu.memory_space<vmem_shared>>) target(%arg11 : memref<128x72xf32, #tpu.memory_space<vmem>>) offsets(%dma_start3A_1114 : memref<128xi32, #tpu.memory_space<vmem>>) semaphore(%arg15 : memref<!tpu.dma_semaphore, #tpu.memory_space<semaphore_mem>>)
    }
    %scan3A_408 = arith.constant 79 : i32
    %dma_wait3A = arith.constant 0 : i32
    %dma_wait3A_409 = arith.constant 0 : i32
    %dma_wait3A_410 = tpu.memref_slice %arg9[%dma_wait3A, %dma_wait3A_409] : memref<2x128xi32, #tpu.memory_space<vmem>> -> memref<1x128xi32, #tpu.memory_space<vmem>>
    %dma_wait3A_411 = tpu.memref_squeeze %dma_wait3A_410 : memref<1x128xi32, #tpu.memory_space<vmem>> -> memref<128xi32, #tpu.memory_space<vmem>>
    %dma_wait3A_412 = arith.constant 0 : i32
    %dma_wait3A_413 = arith.constant 0 : i32
    %dma_wait3A_414 = tpu.memref_slice %arg12[%dma_wait3A_412, %dma_wait3A_413] : memref<10000x72xf32, #tpu.memory_space<vmem_shared>> -> memref<10000x72xf32, #tpu.memory_space<vmem_shared>>
    tpu.wait_indirect_dma semaphore(%arg14 : memref<!tpu.dma_semaphore, #tpu.memory_space<semaphore_mem>>) src(%dma_wait3A_414 : memref<10000x72xf32, #tpu.memory_space<vmem_shared>>) dst(%arg10 : memref<128x72xf32, #tpu.memory_space<vmem>>)
    %dma_start3A_415 = arith.constant 0 : i32
    %dma_start3A_416 = arith.constant 0 : i32
    %dma_start3A_417 = tpu.memref_slice %arg8[%dma_start3A_415, %dma_start3A_416] : memref<2x128xi32, #tpu.memory_space<vmem>> -> memref<1x128xi32, #tpu.memory_space<vmem>>
    %dma_start3A_418 = tpu.memref_squeeze %dma_start3A_417 : memref<1x128xi32, #tpu.memory_space<vmem>> -> memref<128xi32, #tpu.memory_space<vmem>>
    %dma_start3A_419 = arith.constant 0 : i32
    %dma_start3A_420 = arith.constant 0 : i32
    %dma_start3A_421 = tpu.memref_slice %arg13[%dma_start3A_419, %dma_start3A_420] : memref<10240x72xf32, #tpu.memory_space<vmem_shared>> -> memref<10240x72xf32, #tpu.memory_space<vmem_shared>>
    tpu.enqueue_indirect_dma source(%arg10 : memref<128x72xf32, #tpu.memory_space<vmem>>) target(%dma_start3A_421 : memref<10240x72xf32, #tpu.memory_space<vmem_shared>>) offsets(%dma_start3A_418 : memref<128xi32, #tpu.memory_space<vmem>>) semaphore(%arg16 : memref<!tpu.dma_semaphore, #tpu.memory_space<semaphore_mem>>) {add = true}
    %dma_wait3A_422 = arith.constant 1 : i32
    %dma_wait3A_423 = arith.constant 0 : i32
    %dma_wait3A_424 = tpu.memref_slice %arg9[%dma_wait3A_422, %dma_wait3A_423] : memref<2x128xi32, #tpu.memory_space<vmem>> -> memref<1x128xi32, #tpu.memory_space<vmem>>
    %dma_wait3A_425 = tpu.memref_squeeze %dma_wait3A_424 : memref<1x128xi32, #tpu.memory_space<vmem>> -> memref<128xi32, #tpu.memory_space<vmem>>
    %dma_wait3A_426 = arith.constant 0 : i32
    %dma_wait3A_427 = arith.constant 0 : i32
    %dma_wait3A_428 = tpu.memref_slice %arg12[%dma_wait3A_426, %dma_wait3A_427] : memref<10000x72xf32, #tpu.memory_space<vmem_shared>> -> memref<10000x72xf32, #tpu.memory_space<vmem_shared>>
    tpu.wait_indirect_dma semaphore(%arg15 : memref<!tpu.dma_semaphore, #tpu.memory_space<semaphore_mem>>) src(%dma_wait3A_428 : memref<10000x72xf32, #tpu.memory_space<vmem_shared>>) dst(%arg11 : memref<128x72xf32, #tpu.memory_space<vmem>>)
    %dma_start3A_429 = arith.constant 1 : i32
    %dma_start3A_430 = arith.constant 0 : i32
    %dma_start3A_431 = tpu.memref_slice %arg8[%dma_start3A_429, %dma_start3A_430] : memref<2x128xi32, #tpu.memory_space<vmem>> -> memref<1x128xi32, #tpu.memory_space<vmem>>
    %dma_start3A_432 = tpu.memref_squeeze %dma_start3A_431 : memref<1x128xi32, #tpu.memory_space<vmem>> -> memref<128xi32, #tpu.memory_space<vmem>>
    %dma_start3A_433 = arith.constant 0 : i32
    %dma_start3A_434 = arith.constant 0 : i32
    %dma_start3A_435 = tpu.memref_slice %arg13[%dma_start3A_433, %dma_start3A_434] : memref<10240x72xf32, #tpu.memory_space<vmem_shared>> -> memref<10240x72xf32, #tpu.memory_space<vmem_shared>>
    tpu.enqueue_indirect_dma source(%arg11 : memref<128x72xf32, #tpu.memory_space<vmem>>) target(%dma_start3A_435 : memref<10240x72xf32, #tpu.memory_space<vmem_shared>>) offsets(%dma_start3A_432 : memref<128xi32, #tpu.memory_space<vmem>>) semaphore(%arg17 : memref<!tpu.dma_semaphore, #tpu.memory_space<semaphore_mem>>) {add = true}
    %dma_wait3A_436 = arith.constant 0 : i32
    %dma_wait3A_437 = arith.constant 0 : i32
    %dma_wait3A_438 = tpu.memref_slice %arg8[%dma_wait3A_436, %dma_wait3A_437] : memref<2x128xi32, #tpu.memory_space<vmem>> -> memref<1x128xi32, #tpu.memory_space<vmem>>
    %dma_wait3A_439 = tpu.memref_squeeze %dma_wait3A_438 : memref<1x128xi32, #tpu.memory_space<vmem>> -> memref<128xi32, #tpu.memory_space<vmem>>
    %dma_wait3A_440 = arith.constant 0 : i32
    %dma_wait3A_441 = arith.constant 0 : i32
    %dma_wait3A_442 = tpu.memref_slice %arg13[%dma_wait3A_440, %dma_wait3A_441] : memref<10240x72xf32, #tpu.memory_space<vmem_shared>> -> memref<10240x72xf32, #tpu.memory_space<vmem_shared>>
    tpu.wait_indirect_dma semaphore(%arg16 : memref<!tpu.dma_semaphore, #tpu.memory_space<semaphore_mem>>) src(%arg10 : memref<128x72xf32, #tpu.memory_space<vmem>>) dst(%dma_wait3A_442 : memref<10240x72xf32, #tpu.memory_space<vmem_shared>>)
    %dma_wait3A_443 = arith.constant 1 : i32
    %dma_wait3A_444 = arith.constant 0 : i32
    %dma_wait3A_445 = tpu.memref_slice %arg8[%dma_wait3A_443, %dma_wait3A_444] : memref<2x128xi32, #tpu.memory_space<vmem>> -> memref<1x128xi32, #tpu.memory_space<vmem>>
    %dma_wait3A_446 = tpu.memref_squeeze %dma_wait3A_445 : memref<1x128xi32, #tpu.memory_space<vmem>> -> memref<128xi32, #tpu.memory_space<vmem>>
    %dma_wait3A_447 = arith.constant 0 : i32
    %dma_wait3A_448 = arith.constant 0 : i32
    %dma_wait3A_449 = tpu.memref_slice %arg13[%dma_wait3A_447, %dma_wait3A_448] : memref<10240x72xf32, #tpu.memory_space<vmem_shared>> -> memref<10240x72xf32, #tpu.memory_space<vmem_shared>>
    tpu.wait_indirect_dma semaphore(%arg17 : memref<!tpu.dma_semaphore, #tpu.memory_space<semaphore_mem>>) src(%arg11 : memref<128x72xf32, #tpu.memory_space<vmem>>) dst(%dma_wait3A_449 : memref<10240x72xf32, #tpu.memory_space<vmem_shared>>)
    %barrier3A_450 = arith.constant 0 : index
    tpu.barrier barrier_id(%barrier3A_450)
    %mul3A_451 = arith.constant 640 : i32
    %mul3A_452 = arith.muli %arg1, %mul3A_451 : i32
    %add3A_453 = arith.constant 0 : i32
    %add3A_454 = arith.addi %mul3A_452, %add3A_453 : i32
    %dma_start3A_455 = arith.constant 0 : i32
    %dma_start3A_456 = tpu.memref_slice %arg13[%add3A_454, %dma_start3A_455] : memref<10240x72xf32, #tpu.memory_space<vmem_shared>> -> memref<128x72xf32, #tpu.memory_space<vmem_shared>>
    %dma_start3A_457 = arith.constant 0 : i32
    %dma_start3A_458 = tpu.memref_slice %arg13[%add3A_454, %dma_start3A_457] : memref<10240x72xf32, #tpu.memory_space<vmem_shared>> -> memref<128x72xf32, #tpu.memory_space<vmem_shared>>
    tpu.enqueue_dma source(%dma_start3A_458 : memref<128x72xf32, #tpu.memory_space<vmem_shared>>) target(%arg10 : memref<128x72xf32, #tpu.memory_space<vmem>>) target_semaphore(%arg14 : memref<!tpu.dma_semaphore, #tpu.memory_space<semaphore_mem>>)
    %mul3A_459 = arith.constant 640 : i32
    %mul3A_460 = arith.muli %arg1, %mul3A_459 : i32
    %add3A_461 = arith.constant 128 : i32
    %add3A_462 = arith.addi %mul3A_460, %add3A_461 : i32
    %dma_start3A_463 = arith.constant 0 : i32
    %dma_start3A_464 = tpu.memref_slice %arg13[%add3A_462, %dma_start3A_463] : memref<10240x72xf32, #tpu.memory_space<vmem_shared>> -> memref<128x72xf32, #tpu.memory_space<vmem_shared>>
    %dma_start3A_465 = arith.constant 0 : i32
    %dma_start3A_466 = tpu.memref_slice %arg13[%add3A_462, %dma_start3A_465] : memref<10240x72xf32, #tpu.memory_space<vmem_shared>> -> memref<128x72xf32, #tpu.memory_space<vmem_shared>>
    tpu.enqueue_dma source(%dma_start3A_466 : memref<128x72xf32, #tpu.memory_space<vmem_shared>>) target(%arg11 : memref<128x72xf32, #tpu.memory_space<vmem>>) target_semaphore(%arg15 : memref<!tpu.dma_semaphore, #tpu.memory_space<semaphore_mem>>)
    %mul3A_467 = arith.constant 640 : i32
    %mul3A_468 = arith.muli %arg1, %mul3A_467 : i32
    %add3A_469 = arith.constant 0 : i32
    %add3A_470 = arith.addi %mul3A_468, %add3A_469 : i32
    %dma_wait3A_471 = arith.constant 0 : i32
    %dma_wait3A_472 = tpu.memref_slice %arg13[%add3A_470, %dma_wait3A_471] : memref<10240x72xf32, #tpu.memory_space<vmem_shared>> -> memref<128x72xf32, #tpu.memory_space<vmem_shared>>
    %dma_wait3A_473 = arith.constant 0 : i32
    %dma_wait3A_474 = tpu.memref_slice %arg13[%add3A_470, %dma_wait3A_473] : memref<10240x72xf32, #tpu.memory_space<vmem_shared>> -> memref<128x72xf32, #tpu.memory_space<vmem_shared>>
    tpu.wait_dma2 semaphore(%arg14 : memref<!tpu.dma_semaphore, #tpu.memory_space<semaphore_mem>>) src(%dma_wait3A_474 : memref<128x72xf32, #tpu.memory_space<vmem_shared>>) dst(%arg10 : memref<128x72xf32, #tpu.memory_space<vmem>>)
    %mul3A_475 = arith.constant 640 : i32
    %mul3A_476 = arith.muli %arg1, %mul3A_475 : i32
    %add3A_477 = arith.constant 0 : i32
    %add3A_478 = arith.addi %mul3A_476, %add3A_477 : i32
    %dma_start3A_479 = arith.constant 0 : i32
    %dma_start3A_480 = arith.constant 0 : i32
    %dma_start3A_481 = tpu.memref_slice %arg6[%arg0, %dma_start3A_479, %dma_start3A_480] : memref<2x10240x72xf32, #tpu.memory_space<hbm>> -> memref<1x10240x72xf32, #tpu.memory_space<hbm>>
    %dma_start3A_482 = tpu.memref_squeeze %dma_start3A_481 : memref<1x10240x72xf32, #tpu.memory_space<hbm>> -> memref<10240x72xf32, #tpu.memory_space<hbm>>
    %dma_start3A_483 = arith.constant 0 : i32
    %dma_start3A_484 = tpu.memref_slice %dma_start3A_482[%add3A_478, %dma_start3A_483] : memref<10240x72xf32, #tpu.memory_space<hbm>> -> memref<128x72xf32, #tpu.memory_space<hbm>>
    %dma_start3A_485 = arith.constant 0 : i32
    %dma_start3A_486 = arith.constant 0 : i32
    %dma_start3A_487 = tpu.memref_slice %arg6[%arg0, %dma_start3A_485, %dma_start3A_486] : memref<2x10240x72xf32, #tpu.memory_space<hbm>> -> memref<1x10240x72xf32, #tpu.memory_space<hbm>>
    %dma_start3A_488 = tpu.memref_squeeze %dma_start3A_487 : memref<1x10240x72xf32, #tpu.memory_space<hbm>> -> memref<10240x72xf32, #tpu.memory_space<hbm>>
    %dma_start3A_489 = arith.constant 0 : i32
    %dma_start3A_490 = tpu.memref_slice %dma_start3A_488[%add3A_478, %dma_start3A_489] : memref<10240x72xf32, #tpu.memory_space<hbm>> -> memref<128x72xf32, #tpu.memory_space<hbm>>
    tpu.enqueue_dma source(%arg10 : memref<128x72xf32, #tpu.memory_space<vmem>>) target(%dma_start3A_490 : memref<128x72xf32, #tpu.memory_space<hbm>>) target_semaphore(%arg16 : memref<!tpu.dma_semaphore, #tpu.memory_space<semaphore_mem>>)
    %mul3A_491 = arith.constant 640 : i32
    %mul3A_492 = arith.muli %arg1, %mul3A_491 : i32
    %add3A_493 = arith.constant 0 : i32
    %add3A_494 = arith.addi %mul3A_492, %add3A_493 : i32
    %dma_wait3A_495 = arith.constant 0 : i32
    %dma_wait3A_496 = arith.constant 0 : i32
    %dma_wait3A_497 = tpu.memref_slice %arg6[%arg0, %dma_wait3A_495, %dma_wait3A_496] : memref<2x10240x72xf32, #tpu.memory_space<hbm>> -> memref<1x10240x72xf32, #tpu.memory_space<hbm>>
    %dma_wait3A_498 = tpu.memref_squeeze %dma_wait3A_497 : memref<1x10240x72xf32, #tpu.memory_space<hbm>> -> memref<10240x72xf32, #tpu.memory_space<hbm>>
    %dma_wait3A_499 = arith.constant 0 : i32
    %dma_wait3A_500 = tpu.memref_slice %dma_wait3A_498[%add3A_494, %dma_wait3A_499] : memref<10240x72xf32, #tpu.memory_space<hbm>> -> memref<128x72xf32, #tpu.memory_space<hbm>>
    %dma_wait3A_501 = arith.constant 0 : i32
    %dma_wait3A_502 = arith.constant 0 : i32
    %dma_wait3A_503 = tpu.memref_slice %arg6[%arg0, %dma_wait3A_501, %dma_wait3A_502] : memref<2x10240x72xf32, #tpu.memory_space<hbm>> -> memref<1x10240x72xf32, #tpu.memory_space<hbm>>
    %dma_wait3A_504 = tpu.memref_squeeze %dma_wait3A_503 : memref<1x10240x72xf32, #tpu.memory_space<hbm>> -> memref<10240x72xf32, #tpu.memory_space<hbm>>
    %dma_wait3A_505 = arith.constant 0 : i32
    %dma_wait3A_506 = tpu.memref_slice %dma_wait3A_504[%add3A_494, %dma_wait3A_505] : memref<10240x72xf32, #tpu.memory_space<hbm>> -> memref<128x72xf32, #tpu.memory_space<hbm>>
    tpu.wait_dma2 semaphore(%arg16 : memref<!tpu.dma_semaphore, #tpu.memory_space<semaphore_mem>>) src(%arg10 : memref<128x72xf32, #tpu.memory_space<vmem>>) dst(%dma_wait3A_506 : memref<128x72xf32, #tpu.memory_space<hbm>>)
    %mul3A_507 = arith.constant 640 : i32
    %mul3A_508 = arith.muli %arg1, %mul3A_507 : i32
    %add3A_509 = arith.constant 256 : i32
    %add3A_510 = arith.addi %mul3A_508, %add3A_509 : i32
    %dma_start3A_511 = arith.constant 0 : i32
    %dma_start3A_512 = tpu.memref_slice %arg13[%add3A_510, %dma_start3A_511] : memref<10240x72xf32, #tpu.memory_space<vmem_shared>> -> memref<128x72xf32, #tpu.memory_space<vmem_shared>>
    %dma_start3A_513 = arith.constant 0 : i32
    %dma_start3A_514 = tpu.memref_slice %arg13[%add3A_510, %dma_start3A_513] : memref<10240x72xf32, #tpu.memory_space<vmem_shared>> -> memref<128x72xf32, #tpu.memory_space<vmem_shared>>
    tpu.enqueue_dma source(%dma_start3A_514 : memref<128x72xf32, #tpu.memory_space<vmem_shared>>) target(%arg10 : memref<128x72xf32, #tpu.memory_space<vmem>>) target_semaphore(%arg14 : memref<!tpu.dma_semaphore, #tpu.memory_space<semaphore_mem>>)
    %mul3A_515 = arith.constant 640 : i32
    %mul3A_516 = arith.muli %arg1, %mul3A_515 : i32
    %add3A_517 = arith.constant 128 : i32
    %add3A_518 = arith.addi %mul3A_516, %add3A_517 : i32
    %dma_wait3A_519 = arith.constant 0 : i32
    %dma_wait3A_520 = tpu.memref_slice %arg13[%add3A_518, %dma_wait3A_519] : memref<10240x72xf32, #tpu.memory_space<vmem_shared>> -> memref<128x72xf32, #tpu.memory_space<vmem_shared>>
    %dma_wait3A_521 = arith.constant 0 : i32
    %dma_wait3A_522 = tpu.memref_slice %arg13[%add3A_518, %dma_wait3A_521] : memref<10240x72xf32, #tpu.memory_space<vmem_shared>> -> memref<128x72xf32, #tpu.memory_space<vmem_shared>>
    tpu.wait_dma2 semaphore(%arg15 : memref<!tpu.dma_semaphore, #tpu.memory_space<semaphore_mem>>) src(%dma_wait3A_522 : memref<128x72xf32, #tpu.memory_space<vmem_shared>>) dst(%arg11 : memref<128x72xf32, #tpu.memory_space<vmem>>)
    %mul3A_523 = arith.constant 640 : i32
    %mul3A_524 = arith.muli %arg1, %mul3A_523 : i32
    %add3A_525 = arith.constant 128 : i32
    %add3A_526 = arith.addi %mul3A_524, %add3A_525 : i32
    %dma_start3A_527 = arith.constant 0 : i32
    %dma_start3A_528 = arith.constant 0 : i32
    %dma_start3A_529 = tpu.memref_slice %arg6[%arg0, %dma_start3A_527, %dma_start3A_528] : memref<2x10240x72xf32, #tpu.memory_space<hbm>> -> memref<1x10240x72xf32, #tpu.memory_space<hbm>>
    %dma_start3A_530 = tpu.memref_squeeze %dma_start3A_529 : memref<1x10240x72xf32, #tpu.memory_space<hbm>> -> memref<10240x72xf32, #tpu.memory_space<hbm>>
    %dma_start3A_531 = arith.constant 0 : i32
    %dma_start3A_532 = tpu.memref_slice %dma_start3A_530[%add3A_526, %dma_start3A_531] : memref<10240x72xf32, #tpu.memory_space<hbm>> -> memref<128x72xf32, #tpu.memory_space<hbm>>
    %dma_start3A_533 = arith.constant 0 : i32
    %dma_start3A_534 = arith.constant 0 : i32
    %dma_start3A_535 = tpu.memref_slice %arg6[%arg0, %dma_start3A_533, %dma_start3A_534] : memref<2x10240x72xf32, #tpu.memory_space<hbm>> -> memref<1x10240x72xf32, #tpu.memory_space<hbm>>
    %dma_start3A_536 = tpu.memref_squeeze %dma_start3A_535 : memref<1x10240x72xf32, #tpu.memory_space<hbm>> -> memref<10240x72xf32, #tpu.memory_space<hbm>>
    %dma_start3A_537 = arith.constant 0 : i32
    %dma_start3A_538 = tpu.memref_slice %dma_start3A_536[%add3A_526, %dma_start3A_537] : memref<10240x72xf32, #tpu.memory_space<hbm>> -> memref<128x72xf32, #tpu.memory_space<hbm>>
    tpu.enqueue_dma source(%arg11 : memref<128x72xf32, #tpu.memory_space<vmem>>) target(%dma_start3A_538 : memref<128x72xf32, #tpu.memory_space<hbm>>) target_semaphore(%arg17 : memref<!tpu.dma_semaphore, #tpu.memory_space<semaphore_mem>>)
    %mul3A_539 = arith.constant 640 : i32
    %mul3A_540 = arith.muli %arg1, %mul3A_539 : i32
    %add3A_541 = arith.constant 128 : i32
    %add3A_542 = arith.addi %mul3A_540, %add3A_541 : i32
    %dma_wait3A_543 = arith.constant 0 : i32
    %dma_wait3A_544 = arith.constant 0 : i32
    %dma_wait3A_545 = tpu.memref_slice %arg6[%arg0, %dma_wait3A_543, %dma_wait3A_544] : memref<2x10240x72xf32, #tpu.memory_space<hbm>> -> memref<1x10240x72xf32, #tpu.memory_space<hbm>>
    %dma_wait3A_546 = tpu.memref_squeeze %dma_wait3A_545 : memref<1x10240x72xf32, #tpu.memory_space<hbm>> -> memref<10240x72xf32, #tpu.memory_space<hbm>>
    %dma_wait3A_547 = arith.constant 0 : i32
    %dma_wait3A_548 = tpu.memref_slice %dma_wait3A_546[%add3A_542, %dma_wait3A_547] : memref<10240x72xf32, #tpu.memory_space<hbm>> -> memref<128x72xf32, #tpu.memory_space<hbm>>
    %dma_wait3A_549 = arith.constant 0 : i32
    %dma_wait3A_550 = arith.constant 0 : i32
    %dma_wait3A_551 = tpu.memref_slice %arg6[%arg0, %dma_wait3A_549, %dma_wait3A_550] : memref<2x10240x72xf32, #tpu.memory_space<hbm>> -> memref<1x10240x72xf32, #tpu.memory_space<hbm>>
    %dma_wait3A_552 = tpu.memref_squeeze %dma_wait3A_551 : memref<1x10240x72xf32, #tpu.memory_space<hbm>> -> memref<10240x72xf32, #tpu.memory_space<hbm>>
    %dma_wait3A_553 = arith.constant 0 : i32
    %dma_wait3A_554 = tpu.memref_slice %dma_wait3A_552[%add3A_542, %dma_wait3A_553] : memref<10240x72xf32, #tpu.memory_space<hbm>> -> memref<128x72xf32, #tpu.memory_space<hbm>>
    tpu.wait_dma2 semaphore(%arg17 : memref<!tpu.dma_semaphore, #tpu.memory_space<semaphore_mem>>) src(%arg11 : memref<128x72xf32, #tpu.memory_space<vmem>>) dst(%dma_wait3A_554 : memref<128x72xf32, #tpu.memory_space<hbm>>)
    %mul3A_555 = arith.constant 640 : i32
    %mul3A_556 = arith.muli %arg1, %mul3A_555 : i32
    %add3A_557 = arith.constant 384 : i32
    %add3A_558 = arith.addi %mul3A_556, %add3A_557 : i32
    %dma_start3A_559 = arith.constant 0 : i32
    %dma_start3A_560 = tpu.memref_slice %arg13[%add3A_558, %dma_start3A_559] : memref<10240x72xf32, #tpu.memory_space<vmem_shared>> -> memref<128x72xf32, #tpu.memory_space<vmem_shared>>
    %dma_start3A_561 = arith.constant 0 : i32
    %dma_start3A_562 = tpu.memref_slice %arg13[%add3A_558, %dma_start3A_561] : memref<10240x72xf32, #tpu.memory_space<vmem_shared>> -> memref<128x72xf32, #tpu.memory_space<vmem_shared>>
    tpu.enqueue_dma source(%dma_start3A_562 : memref<128x72xf32, #tpu.memory_space<vmem_shared>>) target(%arg11 : memref<128x72xf32, #tpu.memory_space<vmem>>) target_semaphore(%arg15 : memref<!tpu.dma_semaphore, #tpu.memory_space<semaphore_mem>>)
    %mul3A_563 = arith.constant 640 : i32
    %mul3A_564 = arith.muli %arg1, %mul3A_563 : i32
    %add3A_565 = arith.constant 256 : i32
    %add3A_566 = arith.addi %mul3A_564, %add3A_565 : i32
    %dma_wait3A_567 = arith.constant 0 : i32
    %dma_wait3A_568 = tpu.memref_slice %arg13[%add3A_566, %dma_wait3A_567] : memref<10240x72xf32, #tpu.memory_space<vmem_shared>> -> memref<128x72xf32, #tpu.memory_space<vmem_shared>>
    %dma_wait3A_569 = arith.constant 0 : i32
    %dma_wait3A_570 = tpu.memref_slice %arg13[%add3A_566, %dma_wait3A_569] : memref<10240x72xf32, #tpu.memory_space<vmem_shared>> -> memref<128x72xf32, #tpu.memory_space<vmem_shared>>
    tpu.wait_dma2 semaphore(%arg14 : memref<!tpu.dma_semaphore, #tpu.memory_space<semaphore_mem>>) src(%dma_wait3A_570 : memref<128x72xf32, #tpu.memory_space<vmem_shared>>) dst(%arg10 : memref<128x72xf32, #tpu.memory_space<vmem>>)
    %mul3A_571 = arith.constant 640 : i32
    %mul3A_572 = arith.muli %arg1, %mul3A_571 : i32
    %add3A_573 = arith.constant 256 : i32
    %add3A_574 = arith.addi %mul3A_572, %add3A_573 : i32
    %dma_start3A_575 = arith.constant 0 : i32
    %dma_start3A_576 = arith.constant 0 : i32
    %dma_start3A_577 = tpu.memref_slice %arg6[%arg0, %dma_start3A_575, %dma_start3A_576] : memref<2x10240x72xf32, #tpu.memory_space<hbm>> -> memref<1x10240x72xf32, #tpu.memory_space<hbm>>
    %dma_start3A_578 = tpu.memref_squeeze %dma_start3A_577 : memref<1x10240x72xf32, #tpu.memory_space<hbm>> -> memref<10240x72xf32, #tpu.memory_space<hbm>>
    %dma_start3A_579 = arith.constant 0 : i32
    %dma_start3A_580 = tpu.memref_slice %dma_start3A_578[%add3A_574, %dma_start3A_579] : memref<10240x72xf32, #tpu.memory_space<hbm>> -> memref<128x72xf32, #tpu.memory_space<hbm>>
    %dma_start3A_581 = arith.constant 0 : i32
    %dma_start3A_582 = arith.constant 0 : i32
    %dma_start3A_583 = tpu.memref_slice %arg6[%arg0, %dma_start3A_581, %dma_start3A_582] : memref<2x10240x72xf32, #tpu.memory_space<hbm>> -> memref<1x10240x72xf32, #tpu.memory_space<hbm>>
    %dma_start3A_584 = tpu.memref_squeeze %dma_start3A_583 : memref<1x10240x72xf32, #tpu.memory_space<hbm>> -> memref<10240x72xf32, #tpu.memory_space<hbm>>
    %dma_start3A_585 = arith.constant 0 : i32
    %dma_start3A_586 = tpu.memref_slice %dma_start3A_584[%add3A_574, %dma_start3A_585] : memref<10240x72xf32, #tpu.memory_space<hbm>> -> memref<128x72xf32, #tpu.memory_space<hbm>>
    tpu.enqueue_dma source(%arg10 : memref<128x72xf32, #tpu.memory_space<vmem>>) target(%dma_start3A_586 : memref<128x72xf32, #tpu.memory_space<hbm>>) target_semaphore(%arg16 : memref<!tpu.dma_semaphore, #tpu.memory_space<semaphore_mem>>)
    %mul3A_587 = arith.constant 640 : i32
    %mul3A_588 = arith.muli %arg1, %mul3A_587 : i32
    %add3A_589 = arith.constant 256 : i32
    %add3A_590 = arith.addi %mul3A_588, %add3A_589 : i32
    %dma_wait3A_591 = arith.constant 0 : i32
    %dma_wait3A_592 = arith.constant 0 : i32
    %dma_wait3A_593 = tpu.memref_slice %arg6[%arg0, %dma_wait3A_591, %dma_wait3A_592] : memref<2x10240x72xf32, #tpu.memory_space<hbm>> -> memref<1x10240x72xf32, #tpu.memory_space<hbm>>
    %dma_wait3A_594 = tpu.memref_squeeze %dma_wait3A_593 : memref<1x10240x72xf32, #tpu.memory_space<hbm>> -> memref<10240x72xf32, #tpu.memory_space<hbm>>
    %dma_wait3A_595 = arith.constant 0 : i32
    %dma_wait3A_596 = tpu.memref_slice %dma_wait3A_594[%add3A_590, %dma_wait3A_595] : memref<10240x72xf32, #tpu.memory_space<hbm>> -> memref<128x72xf32, #tpu.memory_space<hbm>>
    %dma_wait3A_597 = arith.constant 0 : i32
    %dma_wait3A_598 = arith.constant 0 : i32
    %dma_wait3A_599 = tpu.memref_slice %arg6[%arg0, %dma_wait3A_597, %dma_wait3A_598] : memref<2x10240x72xf32, #tpu.memory_space<hbm>> -> memref<1x10240x72xf32, #tpu.memory_space<hbm>>
    %dma_wait3A_600 = tpu.memref_squeeze %dma_wait3A_599 : memref<1x10240x72xf32, #tpu.memory_space<hbm>> -> memref<10240x72xf32, #tpu.memory_space<hbm>>
    %dma_wait3A_601 = arith.constant 0 : i32
    %dma_wait3A_602 = tpu.memref_slice %dma_wait3A_600[%add3A_590, %dma_wait3A_601] : memref<10240x72xf32, #tpu.memory_space<hbm>> -> memref<128x72xf32, #tpu.memory_space<hbm>>
    tpu.wait_dma2 semaphore(%arg16 : memref<!tpu.dma_semaphore, #tpu.memory_space<semaphore_mem>>) src(%arg10 : memref<128x72xf32, #tpu.memory_space<vmem>>) dst(%dma_wait3A_602 : memref<128x72xf32, #tpu.memory_space<hbm>>)
    %mul3A_603 = arith.constant 640 : i32
    %mul3A_604 = arith.muli %arg1, %mul3A_603 : i32
    %add3A_605 = arith.constant 512 : i32
    %add3A_606 = arith.addi %mul3A_604, %add3A_605 : i32
    %dma_start3A_607 = arith.constant 0 : i32
    %dma_start3A_608 = tpu.memref_slice %arg13[%add3A_606, %dma_start3A_607] : memref<10240x72xf32, #tpu.memory_space<vmem_shared>> -> memref<128x72xf32, #tpu.memory_space<vmem_shared>>
    %dma_start3A_609 = arith.constant 0 : i32
    %dma_start3A_610 = tpu.memref_slice %arg13[%add3A_606, %dma_start3A_609] : memref<10240x72xf32, #tpu.memory_space<vmem_shared>> -> memref<128x72xf32, #tpu.memory_space<vmem_shared>>
    tpu.enqueue_dma source(%dma_start3A_610 : memref<128x72xf32, #tpu.memory_space<vmem_shared>>) target(%arg10 : memref<128x72xf32, #tpu.memory_space<vmem>>) target_semaphore(%arg14 : memref<!tpu.dma_semaphore, #tpu.memory_space<semaphore_mem>>)
    %mul3A_611 = arith.constant 640 : i32
    %mul3A_612 = arith.muli %arg1, %mul3A_611 : i32
    %add3A_613 = arith.constant 384 : i32
    %add3A_614 = arith.addi %mul3A_612, %add3A_613 : i32
    %dma_wait3A_615 = arith.constant 0 : i32
    %dma_wait3A_616 = tpu.memref_slice %arg13[%add3A_614, %dma_wait3A_615] : memref<10240x72xf32, #tpu.memory_space<vmem_shared>> -> memref<128x72xf32, #tpu.memory_space<vmem_shared>>
    %dma_wait3A_617 = arith.constant 0 : i32
    %dma_wait3A_618 = tpu.memref_slice %arg13[%add3A_614, %dma_wait3A_617] : memref<10240x72xf32, #tpu.memory_space<vmem_shared>> -> memref<128x72xf32, #tpu.memory_space<vmem_shared>>
    tpu.wait_dma2 semaphore(%arg15 : memref<!tpu.dma_semaphore, #tpu.memory_space<semaphore_mem>>) src(%dma_wait3A_618 : memref<128x72xf32, #tpu.memory_space<vmem_shared>>) dst(%arg11 : memref<128x72xf32, #tpu.memory_space<vmem>>)
    %mul3A_619 = arith.constant 640 : i32
    %mul3A_620 = arith.muli %arg1, %mul3A_619 : i32
    %add3A_621 = arith.constant 384 : i32
    %add3A_622 = arith.addi %mul3A_620, %add3A_621 : i32
    %dma_start3A_623 = arith.constant 0 : i32
    %dma_start3A_624 = arith.constant 0 : i32
    %dma_start3A_625 = tpu.memref_slice %arg6[%arg0, %dma_start3A_623, %dma_start3A_624] : memref<2x10240x72xf32, #tpu.memory_space<hbm>> -> memref<1x10240x72xf32, #tpu.memory_space<hbm>>
    %dma_start3A_626 = tpu.memref_squeeze %dma_start3A_625 : memref<1x10240x72xf32, #tpu.memory_space<hbm>> -> memref<10240x72xf32, #tpu.memory_space<hbm>>
    %dma_start3A_627 = arith.constant 0 : i32
    %dma_start3A_628 = tpu.memref_slice %dma_start3A_626[%add3A_622, %dma_start3A_627] : memref<10240x72xf32, #tpu.memory_space<hbm>> -> memref<128x72xf32, #tpu.memory_space<hbm>>
    %dma_start3A_629 = arith.constant 0 : i32
    %dma_start3A_630 = arith.constant 0 : i32
    %dma_start3A_631 = tpu.memref_slice %arg6[%arg0, %dma_start3A_629, %dma_start3A_630] : memref<2x10240x72xf32, #tpu.memory_space<hbm>> -> memref<1x10240x72xf32, #tpu.memory_space<hbm>>
    %dma_start3A_632 = tpu.memref_squeeze %dma_start3A_631 : memref<1x10240x72xf32, #tpu.memory_space<hbm>> -> memref<10240x72xf32, #tpu.memory_space<hbm>>
    %dma_start3A_633 = arith.constant 0 : i32
    %dma_start3A_634 = tpu.memref_slice %dma_start3A_632[%add3A_622, %dma_start3A_633] : memref<10240x72xf32, #tpu.memory_space<hbm>> -> memref<128x72xf32, #tpu.memory_space<hbm>>
    tpu.enqueue_dma source(%arg11 : memref<128x72xf32, #tpu.memory_space<vmem>>) target(%dma_start3A_634 : memref<128x72xf32, #tpu.memory_space<hbm>>) target_semaphore(%arg17 : memref<!tpu.dma_semaphore, #tpu.memory_space<semaphore_mem>>)
    %mul3A_635 = arith.constant 640 : i32
    %mul3A_636 = arith.muli %arg1, %mul3A_635 : i32
    %add3A_637 = arith.constant 512 : i32
    %add3A_638 = arith.addi %mul3A_636, %add3A_637 : i32
    %dma_wait3A_639 = arith.constant 0 : i32
    %dma_wait3A_640 = tpu.memref_slice %arg13[%add3A_638, %dma_wait3A_639] : memref<10240x72xf32, #tpu.memory_space<vmem_shared>> -> memref<128x72xf32, #tpu.memory_space<vmem_shared>>
    %dma_wait3A_641 = arith.constant 0 : i32
    %dma_wait3A_642 = tpu.memref_slice %arg13[%add3A_638, %dma_wait3A_641] : memref<10240x72xf32, #tpu.memory_space<vmem_shared>> -> memref<128x72xf32, #tpu.memory_space<vmem_shared>>
    tpu.wait_dma2 semaphore(%arg14 : memref<!tpu.dma_semaphore, #tpu.memory_space<semaphore_mem>>) src(%dma_wait3A_642 : memref<128x72xf32, #tpu.memory_space<vmem_shared>>) dst(%arg10 : memref<128x72xf32, #tpu.memory_space<vmem>>)
    %mul3A_643 = arith.constant 640 : i32
    %mul3A_644 = arith.muli %arg1, %mul3A_643 : i32
    %add3A_645 = arith.constant 512 : i32
    %add3A_646 = arith.addi %mul3A_644, %add3A_645 : i32
    %dma_start3A_647 = arith.constant 0 : i32
    %dma_start3A_648 = arith.constant 0 : i32
    %dma_start3A_649 = tpu.memref_slice %arg6[%arg0, %dma_start3A_647, %dma_start3A_648] : memref<2x10240x72xf32, #tpu.memory_space<hbm>> -> memref<1x10240x72xf32, #tpu.memory_space<hbm>>
    %dma_start3A_650 = tpu.memref_squeeze %dma_start3A_649 : memref<1x10240x72xf32, #tpu.memory_space<hbm>> -> memref<10240x72xf32, #tpu.memory_space<hbm>>
    %dma_start3A_651 = arith.constant 0 : i32
    %dma_start3A_652 = tpu.memref_slice %dma_start3A_650[%add3A_646, %dma_start3A_651] : memref<10240x72xf32, #tpu.memory_space<hbm>> -> memref<128x72xf32, #tpu.memory_space<hbm>>
    %dma_start3A_653 = arith.constant 0 : i32
    %dma_start3A_654 = arith.constant 0 : i32
    %dma_start3A_655 = tpu.memref_slice %arg6[%arg0, %dma_start3A_653, %dma_start3A_654] : memref<2x10240x72xf32, #tpu.memory_space<hbm>> -> memref<1x10240x72xf32, #tpu.memory_space<hbm>>
    %dma_start3A_656 = tpu.memref_squeeze %dma_start3A_655 : memref<1x10240x72xf32, #tpu.memory_space<hbm>> -> memref<10240x72xf32, #tpu.memory_space<hbm>>
    %dma_start3A_657 = arith.constant 0 : i32
    %dma_start3A_658 = tpu.memref_slice %dma_start3A_656[%add3A_646, %dma_start3A_657] : memref<10240x72xf32, #tpu.memory_space<hbm>> -> memref<128x72xf32, #tpu.memory_space<hbm>>
    tpu.enqueue_dma source(%arg10 : memref<128x72xf32, #tpu.memory_space<vmem>>) target(%dma_start3A_658 : memref<128x72xf32, #tpu.memory_space<hbm>>) target_semaphore(%arg16 : memref<!tpu.dma_semaphore, #tpu.memory_space<semaphore_mem>>)
    %mul3A_659 = arith.constant 640 : i32
    %mul3A_660 = arith.muli %arg1, %mul3A_659 : i32
    %add3A_661 = arith.constant 384 : i32
    %add3A_662 = arith.addi %mul3A_660, %add3A_661 : i32
    %dma_wait3A_663 = arith.constant 0 : i32
    %dma_wait3A_664 = arith.constant 0 : i32
    %dma_wait3A_665 = tpu.memref_slice %arg6[%arg0, %dma_wait3A_663, %dma_wait3A_664] : memref<2x10240x72xf32, #tpu.memory_space<hbm>> -> memref<1x10240x72xf32, #tpu.memory_space<hbm>>
    %dma_wait3A_666 = tpu.memref_squeeze %dma_wait3A_665 : memref<1x10240x72xf32, #tpu.memory_space<hbm>> -> memref<10240x72xf32, #tpu.memory_space<hbm>>
    %dma_wait3A_667 = arith.constant 0 : i32
    %dma_wait3A_668 = tpu.memref_slice %dma_wait3A_666[%add3A_662, %dma_wait3A_667] : memref<10240x72xf32, #tpu.memory_space<hbm>> -> memref<128x72xf32, #tpu.memory_space<hbm>>
    %dma_wait3A_669 = arith.constant 0 : i32
    %dma_wait3A_670 = arith.constant 0 : i32
    %dma_wait3A_671 = tpu.memref_slice %arg6[%arg0, %dma_wait3A_669, %dma_wait3A_670] : memref<2x10240x72xf32, #tpu.memory_space<hbm>> -> memref<1x10240x72xf32, #tpu.memory_space<hbm>>
    %dma_wait3A_672 = tpu.memref_squeeze %dma_wait3A_671 : memref<1x10240x72xf32, #tpu.memory_space<hbm>> -> memref<10240x72xf32, #tpu.memory_space<hbm>>
    %dma_wait3A_673 = arith.constant 0 : i32
    %dma_wait3A_674 = tpu.memref_slice %dma_wait3A_672[%add3A_662, %dma_wait3A_673] : memref<10240x72xf32, #tpu.memory_space<hbm>> -> memref<128x72xf32, #tpu.memory_space<hbm>>
    tpu.wait_dma2 semaphore(%arg17 : memref<!tpu.dma_semaphore, #tpu.memory_space<semaphore_mem>>) src(%arg11 : memref<128x72xf32, #tpu.memory_space<vmem>>) dst(%dma_wait3A_674 : memref<128x72xf32, #tpu.memory_space<hbm>>)
    %mul3A_675 = arith.constant 640 : i32
    %mul3A_676 = arith.muli %arg1, %mul3A_675 : i32
    %add3A_677 = arith.constant 512 : i32
    %add3A_678 = arith.addi %mul3A_676, %add3A_677 : i32
    %dma_wait3A_679 = arith.constant 0 : i32
    %dma_wait3A_680 = arith.constant 0 : i32
    %dma_wait3A_681 = tpu.memref_slice %arg6[%arg0, %dma_wait3A_679, %dma_wait3A_680] : memref<2x10240x72xf32, #tpu.memory_space<hbm>> -> memref<1x10240x72xf32, #tpu.memory_space<hbm>>
    %dma_wait3A_682 = tpu.memref_squeeze %dma_wait3A_681 : memref<1x10240x72xf32, #tpu.memory_space<hbm>> -> memref<10240x72xf32, #tpu.memory_space<hbm>>
    %dma_wait3A_683 = arith.constant 0 : i32
    %dma_wait3A_684 = tpu.memref_slice %dma_wait3A_682[%add3A_678, %dma_wait3A_683] : memref<10240x72xf32, #tpu.memory_space<hbm>> -> memref<128x72xf32, #tpu.memory_space<hbm>>
    %dma_wait3A_685 = arith.constant 0 : i32
    %dma_wait3A_686 = arith.constant 0 : i32
    %dma_wait3A_687 = tpu.memref_slice %arg6[%arg0, %dma_wait3A_685, %dma_wait3A_686] : memref<2x10240x72xf32, #tpu.memory_space<hbm>> -> memref<1x10240x72xf32, #tpu.memory_space<hbm>>
    %dma_wait3A_688 = tpu.memref_squeeze %dma_wait3A_687 : memref<1x10240x72xf32, #tpu.memory_space<hbm>> -> memref<10240x72xf32, #tpu.memory_space<hbm>>
    %dma_wait3A_689 = arith.constant 0 : i32
    %dma_wait3A_690 = tpu.memref_slice %dma_wait3A_688[%add3A_678, %dma_wait3A_689] : memref<10240x72xf32, #tpu.memory_space<hbm>> -> memref<128x72xf32, #tpu.memory_space<hbm>>
    tpu.wait_dma2 semaphore(%arg16 : memref<!tpu.dma_semaphore, #tpu.memory_space<semaphore_mem>>) src(%arg10 : memref<128x72xf32, #tpu.memory_space<vmem>>) dst(%dma_wait3A_690 : memref<128x72xf32, #tpu.memory_space<hbm>>)
    return
  }
}

module attributes {stable_mosaic.version = 14 : i64} {
  func.func @_mlp_body(%arg0: memref<2x10240x72xf32, #tpu.memory_space<any>>, %arg1: memref<72x128xf32, #tpu.memory_space<vmem>>, %arg2: memref<72x128xf32, #tpu.memory_space<vmem>>, %arg3: memref<1x128xf32, #tpu.memory_space<vmem>>, %arg4: memref<128x128xf32, #tpu.memory_space<vmem>>, %arg5: memref<1x128xf32, #tpu.memory_space<vmem>>, %arg6: memref<128x1xf32, #tpu.memory_space<vmem>>, %arg7: memref<1x1xf32, #tpu.memory_space<vmem>>, %arg8: memref<1x1xf32, #tpu.memory_space<vmem>>, %arg9: memref<2x10240x72xf32, #tpu.memory_space<vmem>>, %arg10: memref<!tpu.dma_semaphore, #tpu.memory_space<semaphore_mem>>) attributes {dimension_semantics = [], scalar_prefetch = 0 : i64, scratch_operands = 2 : i64, tpu.core_type = #tpu.core_type<tc>} {
    tpu.enqueue_dma source(%arg0 : memref<2x10240x72xf32, #tpu.memory_space<any>>) target(%arg9 : memref<2x10240x72xf32, #tpu.memory_space<vmem>>) target_semaphore(%arg10 : memref<!tpu.dma_semaphore, #tpu.memory_space<semaphore_mem>>)
    tpu.wait_dma2 semaphore(%arg10 : memref<!tpu.dma_semaphore, #tpu.memory_space<semaphore_mem>>) src(%arg0 : memref<2x10240x72xf32, #tpu.memory_space<any>>) dst(%arg9 : memref<2x10240x72xf32, #tpu.memory_space<vmem>>)
    %get3A = arith.constant 0 : index
    %get3A_0 = arith.constant 0 : index
    %get3A_1 = arith.constant 0 : index
    %get3A_2 = vector.load %arg9[%get3A, %get3A_0, %get3A_1] : memref<2x10240x72xf32, #tpu.memory_space<vmem>>, vector<1x10000x72xf32>
    %get3A_3 = vector.shape_cast %get3A_2 : vector<1x10000x72xf32> to vector<10000x72xf32>
    %get3A_4 = arith.constant 1 : index
    %get3A_5 = arith.constant 0 : index
    %get3A_6 = arith.constant 0 : index
    %get3A_7 = vector.load %arg9[%get3A_4, %get3A_5, %get3A_6] : memref<2x10240x72xf32, #tpu.memory_space<vmem>>, vector<1x10000x72xf32>
    %get3A_8 = vector.shape_cast %get3A_7 : vector<1x10000x72xf32> to vector<10000x72xf32>
    %slice3A = vector.extract_strided_slice %get3A_8 {offsets = [0, 0], sizes = [10000, 60], strides = [1, 1]} : vector<10000x72xf32> to vector<10000x60xf32>
    %mul3A = arith.mulf %get3A_3, %get3A_3 : vector<10000x72xf32>
    %reduce_sum3A = arith.constant dense<0.000000e+00> : vector<10000xf32>
    %reduce_sum3A_9 = vector.multi_reduction <add>, %mul3A, %reduce_sum3A [1] : vector<10000x72xf32> to vector<10000xf32>
    %broadcast_in_dim3A = vector.shape_cast %reduce_sum3A_9 : vector<10000xf32> to vector<10000x1xf32>
    %mul3A_10 = arith.mulf %slice3A, %slice3A : vector<10000x60xf32>
    %reduce_sum3A_11 = arith.constant dense<0.000000e+00> : vector<10000xf32>
    %reduce_sum3A_12 = vector.multi_reduction <add>, %mul3A_10, %reduce_sum3A_11 [1] : vector<10000x60xf32> to vector<10000xf32>
    %broadcast_in_dim3A_13 = vector.shape_cast %reduce_sum3A_12 : vector<10000xf32> to vector<10000x1xf32>
    %add3A = arith.addf %broadcast_in_dim3A, %broadcast_in_dim3A_13 : vector<10000x1xf32>
    %rsqrt3A = math.rsqrt %add3A : vector<10000x1xf32>
    %get3A_14 = arith.constant 0 : index
    %get3A_15 = arith.constant 0 : index
    %get3A_16 = vector.load %arg1[%get3A_14, %get3A_15] : memref<72x128xf32, #tpu.memory_space<vmem>>, vector<72x128xf32>
    %dot_general3A = arith.constant dense<0.000000e+00> : vector<10000x128xf32>
    %dot_general3A_17 = tpu.matmul %get3A_3, %get3A_16, %dot_general3A {dimension_numbers = #tpu.dot_dimension_numbers<[1], [0], [0], [1], [0, 0, 1, 1], [], []>, transpose_lhs_hint = false} : vector<10000x72xf32>, vector<72x128xf32>, vector<10000x128xf32> -> vector<10000x128xf32>
    %get3A_18 = arith.constant 0 : index
    %get3A_19 = arith.constant 0 : index
    %get3A_20 = vector.load %arg2[%get3A_18, %get3A_19] : memref<72x128xf32, #tpu.memory_space<vmem>>, vector<72x128xf32>
    %dot_general3A_21 = arith.constant dense<0.000000e+00> : vector<10000x128xf32>
    %dot_general3A_22 = tpu.matmul %get3A_8, %get3A_20, %dot_general3A_21 {dimension_numbers = #tpu.dot_dimension_numbers<[1], [0], [0], [1], [0, 0, 1, 1], [], []>, transpose_lhs_hint = false} : vector<10000x72xf32>, vector<72x128xf32>, vector<10000x128xf32> -> vector<10000x128xf32>
    %add3A_23 = arith.addf %dot_general3A_17, %dot_general3A_22 : vector<10000x128xf32>
    %mul3A_24 = vector.broadcast %rsqrt3A : vector<10000x1xf32> to vector<10000x128xf32>
    %mul3A_25 = arith.mulf %add3A_23, %mul3A_24 : vector<10000x128xf32>
    %get3A_26 = arith.constant 0 : index
    %get3A_27 = arith.constant 0 : index
    %get3A_28 = vector.load %arg3[%get3A_26, %get3A_27] : memref<1x128xf32, #tpu.memory_space<vmem>>, vector<1x128xf32>
    %add3A_29 = vector.broadcast %get3A_28 : vector<1x128xf32> to vector<10000x128xf32>
    %add3A_30 = arith.addf %mul3A_25, %add3A_29 : vector<10000x128xf32>
    %max3A = arith.constant 0.000000e+00 : f32
    %max3A_31 = vector.broadcast %max3A : f32 to vector<10000x128xf32>
    %max3A_32 = arith.maximumf %add3A_30, %max3A_31 : vector<10000x128xf32>
    %get3A_33 = arith.constant 0 : index
    %get3A_34 = arith.constant 0 : index
    %get3A_35 = vector.load %arg4[%get3A_33, %get3A_34] : memref<128x128xf32, #tpu.memory_space<vmem>>, vector<128x128xf32>
    %dot_general3A_36 = arith.constant dense<0.000000e+00> : vector<10000x128xf32>
    %dot_general3A_37 = tpu.matmul %max3A_32, %get3A_35, %dot_general3A_36 {dimension_numbers = #tpu.dot_dimension_numbers<[1], [0], [0], [1], [0, 0, 1, 1], [], []>, transpose_lhs_hint = false} : vector<10000x128xf32>, vector<128x128xf32>, vector<10000x128xf32> -> vector<10000x128xf32>
    %get3A_38 = arith.constant 0 : index
    %get3A_39 = arith.constant 0 : index
    %get3A_40 = vector.load %arg5[%get3A_38, %get3A_39] : memref<1x128xf32, #tpu.memory_space<vmem>>, vector<1x128xf32>
    %add3A_41 = vector.broadcast %get3A_40 : vector<1x128xf32> to vector<10000x128xf32>
    %add3A_42 = arith.addf %dot_general3A_37, %add3A_41 : vector<10000x128xf32>
    %max3A_43 = arith.constant 0.000000e+00 : f32
    %max3A_44 = vector.broadcast %max3A_43 : f32 to vector<10000x128xf32>
    %max3A_45 = arith.maximumf %add3A_42, %max3A_44 : vector<10000x128xf32>
    %get3A_46 = arith.constant 0 : index
    %get3A_47 = arith.constant 0 : index
    %get3A_48 = vector.load %arg6[%get3A_46, %get3A_47] : memref<128x1xf32, #tpu.memory_space<vmem>>, vector<128x1xf32>
    %dot_general3A_49 = arith.constant dense<0.000000e+00> : vector<10000x1xf32>
    %dot_general3A_50 = tpu.matmul %max3A_45, %get3A_48, %dot_general3A_49 {dimension_numbers = #tpu.dot_dimension_numbers<[1], [0], [0], [1], [0, 0, 1, 1], [], []>, transpose_lhs_hint = false} : vector<10000x128xf32>, vector<128x1xf32>, vector<10000x1xf32> -> vector<10000x1xf32>
    %reduce_sum3A_51 = vector.shape_cast %dot_general3A_50 : vector<10000x1xf32> to vector<1x10000x1xf32>
    %reduce_sum3A_52 = arith.constant dense<0.000000e+00> : vector<1xf32>
    %reduce_sum3A_53 = vector.multi_reduction <add>, %reduce_sum3A_51, %reduce_sum3A_52 [1, 2] : vector<1x10000x1xf32> to vector<1xf32>
    %reduce_sum3A_54 = vector.shape_cast %reduce_sum3A_53 : vector<1xf32> to vector<1x1x1xf32>
    %reduce_sum3A_55 = vector.extract %reduce_sum3A_54[0, 0, 0] : f32 from vector<1x1x1xf32>
    %div3A = arith.constant 1.000000e+04 : f32
    %div3A_56 = arith.divf %reduce_sum3A_55, %div3A : f32
    %get3A_57 = arith.constant 0 : index
    %get3A_58 = arith.constant 0 : index
    %get3A_59 = vector.load %arg7[%get3A_57, %get3A_58] : memref<1x1xf32, #tpu.memory_space<vmem>>, vector<1x1xf32>
    %get3A_60 = vector.extract %get3A_59[0, 0] : f32 from vector<1x1xf32>
    %add3A_61 = arith.addf %div3A_56, %get3A_60 : f32
    %reshape3A = vector.broadcast %add3A_61 : f32 to vector<1x1xf32>
    %swap3A = arith.constant 0 : index
    %swap3A_62 = arith.constant 0 : index
    %swap3A_63 = vector.load %arg8[%swap3A, %swap3A_62] : memref<1x1xf32, #tpu.memory_space<vmem>>, vector<1x1xf32>
    tpu.vector_store %arg8[%swap3A, %swap3A_62], %reshape3A {strides = array<i32>} : memref<1x1xf32, #tpu.memory_space<vmem>>, vector<1x1xf32>,
    return
  }
}

</mosaic_0001>

<sc_bundles>
// kernel: kernel.4.cloned.1.call-start
scs
__scs_entry_jumppad:
0x0: {  	(pc) =	sbr.rel $0x88, $3  }
0x1: {  	(tag) =	ssettag $0x0;
	lr =	simm.s32 $0x1  }
0x2: {  	[smem:$0x3F97] =	sst lr;
	_ =	strace $0xD0000000  }
0x3: {  	_ = 	snop  }
0x4: {  	_ = 	snop  }
0x5: {  	_ = 	snop  }
0x6: {  	_ = 	snop  }
0x7: {  	_ = 	snop  }
__scs_overlays_trampoline_lowered:
0x8: {  	[smem:$0x3FA6] =	sst s0  }
0x9: {  	[smem:$0x3FA7] =	sst s1  }
0xa: {  	[smem:$0x3FA8] =	sst s2  }
0xb: {  	[smem:$0x3FA9] =	sst s3  }
0xc: {  	[smem:$0x3FAA] =	sst s4  }
0xd: {  	[smem:$0x3FAB] =	sst s5  }
0xe: {  	[smem:$0x3FAC] =	sst s6  }
0xf: {  	[smem:$0x3FAD] =	sst s7  }
0x10: {  	[smem:$0x3FAE] =	sst s8  }
0x11: {  	[smem:$0x3FAF] =	sst s9;
	s0 =	simm.s32 @!p0 $0x0  }
0x12: {  	s1 =	sld [smem:$0x3F95];
	s0 =	simm.s32 @p0 $0x1  }
0x13: {  	[smem:$0x3FB0] =	sst s0;
	s0 =	simm.s32 @!p1 $0x0  }
0x14: {  	s2 =	sld [smem:$0x3F94];
	s0 =	simm.s32 @p1 $0x1  }
0x15: {  	[smem:$0x3FB1] =	sst s0;
	s0 =	simm.s32 @!p2 $0x0  }
0x16: {  	s3 =	sld [smem:$0x3FDB];
	s0 =	simm.s32 @p2 $0x1  }
0x17: {  	s4 =	simm.s32 $0x1BF5;
	[smem:$0x3FB3] =	sst s0  }
0x18: {  	s0 =	sld [smem:$0x3F96];
	_ =	swait.ge [sflag:s4], $0x0  }
0x19: {  	s7 =	sld [smem:$0x3F97]  }
0x1a: {  	s8 =	sadd.s32 $0xFFFFE003, lr  }
0x1b: {  	s9 =	sadd.s32 $0xFFFFFEF7, lr;
	s5 =	simm.s32 $0xFFFFFFFF;
	p2 =	slt.u32 s8, $0xFFFFF086  }
0x1c: {  	p1 =	slt.u32 s9, $0xF7A;
	s5 =	simm.s32 @!p2 $0x0  }
0x1d: {  	s5 =	simm.s32 @p1 $0x1;
	p0 =	seq.s32 s7, s2  }
0x1e: {  	s7 =	smul.u32 @!p0 $0xF7A, s2;
	p2 =	seq.s32 @!p0 s5, $0x0  }
0x1f: {  	s9 =	smul.u32 $0xF7A, s1;
	s8 =	simm.s32 @!p0 $0x1BF5;
	p2 =	por !p2, p0  }
0x20: {  	[sflag:s8] =	ssyncset.s32 @!p0 $0xFFFFF086;
	s6 =	sadd.s32 @!p0 s3, s7;
	s7 =	simm.s32 @!p0 $0x108  }
0x21: {  	s3 =	sadd.s32 s3, s9;
	s6 =	sadd.s32 @!p0 $0x88, s6;
	s7 =	simm.s32 @p2 $0x1082  }
0x22: {  	[simem:s7], [sflag:s8] =	dma.local @!p0 [hbm:s6], $0xF7A  }
0x23: {  	s9 =	sor.u32 $0xD0000000, s2;
	s6 =	simm.s32 $0x108;
	_ =	swait.ge @!p0 [sflag:s8], $0x0  }
0x24: {  	s3 =	sadd.s32 $0x88, s3;
	s6 =	simm.s32 @!p1 $0x1082;
	[sflag:s4] =	ssyncset.s32 $0xFFFFF086  }
0x25: {  	[simem:s6], [sflag:s4] =	dma.local [hbm:s3], $0xF7A  }
0x26: {  	[smem:$0x3F97] =	sst s1;
	(tag) =	ssettag s2;
	_ =	strace s9  }
0x27: {  	s1 =	sld [smem:$0x3FA7]  }
0x28: {  	s2 =	sld [smem:$0x3FA8]  }
0x29: {  	s4 =	sld [smem:$0x3FAA]  }
0x2a: {  	p0 =	seq.s32 s5, $0x0;
	s5 =	sld [smem:$0x3FAB]  }
0x2b: {  	s6 =	sld [smem:$0x3FAC]  }
0x2c: {  	s7 =	sld [smem:$0x3FAD]  }
0x2d: {  	s3 =	simm.s32 $0x108;
	s8 =	sld [smem:$0x3FAE]  }
0x2e: {  	s3 =	simm.s32 @!p0 $0x1082;
	s9 =	sld [smem:$0x3FAF]  }
0x2f: {  	lr =	sadd.s32 s0, s3;
	s0 =	sld [smem:$0x3FA6]  }
0x30: {  	s3 =	sld [smem:$0x3FA9]  }
0x31: {  	[smem:$0x3FB2] =	sst s10  }
0x32: {  	s10 =	sld [smem:$0x3FB0];
	_ =	sdelay $0x3  }
0x33: {  	p0 =	seq.s32 s10, $0x1;
	s10 =	sld [smem:$0x3FB2];
	_ =	sdelay $0x3  }
0x34: {  	[smem:$0x3FB2] =	sst s10  }
0x35: {  	s10 =	sld [smem:$0x3FB1];
	_ =	sdelay $0x3  }
0x36: {  	p1 =	seq.s32 s10, $0x1;
	s10 =	sld [smem:$0x3FB2];
	_ =	sdelay $0x3  }
0x37: {  	[smem:$0x3FB2] =	sst s10  }
0x38: {  	s10 =	sld [smem:$0x3FB3]  }
0x39: {  	_ = 	snop;
	(pc) =	sbr.ind lr, $3  }
0x3a: {  	_ = 	snop  }
0x3b: {  	_ = 	snop  }
0x3c: {  	p2 =	seq.s32 s10, $0x1;
	s10 =	sld [smem:$0x3FB2]  }
0x3d: {  	_ =	shalt  }
0x3e: {  	_ =	shalt  }
0x3f: {  	_ =	shalt  }
0x40: {  	_ =	shalt  }
0x41: {  	_ =	shalt  }
0x42: {  	_ =	shalt  }
0x43: {  	_ =	shalt  }
0x44: {  	_ =	shalt  }
0x45: {  	_ =	shalt  }
0x46: {  	_ =	shalt  }
0x47: {  	_ =	shalt  }
0x48: {  	_ =	shalt  }
0x49: {  	_ =	shalt  }
0x4a: {  	_ =	shalt  }
0x4b: {  	_ =	shalt  }
0x4c: {  	_ =	shalt  }
0x4d: {  	_ =	shalt  }
0x4e: {  	_ =	shalt  }
0x4f: {  	_ =	shalt  }
0x50: {  	_ =	shalt  }
0x51: {  	_ =	shalt  }
0x52: {  	_ =	shalt  }
0x53: {  	_ =	shalt  }
0x54: {  	_ =	shalt  }
0x55: {  	_ =	shalt  }
0x56: {  	_ =	shalt  }
0x57: {  	_ =	shalt  }
0x58: {  	_ =	shalt  }
0x59: {  	_ =	shalt  }
0x5a: {  	_ =	shalt  }
0x5b: {  	_ =	shalt  }
0x5c: {  	_ =	shalt  }
0x5d: {  	_ =	shalt  }
0x5e: {  	_ =	shalt  }
0x5f: {  	_ =	shalt  }
0x60: {  	_ =	shalt  }
0x61: {  	_ =	shalt  }
0x62: {  	_ =	shalt  }
0x63: {  	_ =	shalt  }
0x64: {  	_ =	shalt  }
0x65: {  	_ =	shalt  }
0x66: {  	_ =	shalt  }
0x67: {  	_ =	shalt  }
0x68: {  	_ =	shalt  }
0x69: {  	_ =	shalt  }
0x6a: {  	_ =	shalt  }
0x6b: {  	_ =	shalt  }
0x6c: {  	_ =	shalt  }
0x6d: {  	_ =	shalt  }
0x6e: {  	_ =	shalt  }
0x6f: {  	_ =	shalt  }
0x70: {  	_ =	shalt  }
0x71: {  	_ =	shalt  }
0x72: {  	_ =	shalt  }
0x73: {  	_ =	shalt  }
0x74: {  	_ =	shalt  }
0x75: {  	_ =	shalt  }
0x76: {  	_ =	shalt  }
0x77: {  	_ =	shalt  }
0x78: {  	_ =	shalt  }
0x79: {  	_ =	shalt  }
0x7a: {  	_ =	shalt  }
0x7b: {  	_ =	shalt  }
0x7c: {  	_ =	shalt  }
0x7d: {  	_ =	shalt  }
0x7e: {  	_ =	shalt  }
0x7f: {  	_ =	shalt  }
0x80: {  	_ =	shalt  }
0x81: {  	_ =	shalt  }
0x82: {  	_ =	shalt  }
0x83: {  	_ =	shalt  }
0x84: {  	_ =	shalt  }
0x85: {  	_ =	shalt  }
0x86: {  	_ =	shalt  }
0x87: {  	_ =	shalt  }
.Lfunc_end0:
.L_simem_size_0:
called_computation_lowered:
.L_overlay_start_0:
0x88: {  	s2 =	sld [smem:$0x3FD9]  }
0x89: {  	s3 =	sld [smem:$0x3FFE];
	_ =	sdelay $0x1  }
0x8a: {  	s1 =	srdreg.scid  }
0x8b: {  	s0 =	sand.u32 $0x1, s1  }
0x8c: {  	s17 =	sshll.u32 s0, $0xA;
	s2 =	sadd.s32 s3, s2  }
0x8d: {  	s2 =	sadd.s32 s2, s17  }
0x8e: {  	[smem:$0x3FBE] =	sst s2  }
0x8f: {  	_ = 	snop  }
0x90: {  	s2 =	sld [smem:$0x3FC9];
	(tm) =	ssettm $0x1  }
0x91: {  	s18 =	sld [smem:$0x3FFB];
	_ =	sdelay $0x3  }
0x92: {  	_ =	strace s18  }
0x93: {  	s3 =	sld [smem:$0x3FFC];
	_ =	sdelay $0x3  }
0x94: {  	_ =	strace s3  }
0x95: {  	s3 =	sld [smem:$0x3FFD];
	_ =	sdelay $0x3  }
0x96: {  	_ =	strace s3  }
0x97: {  	_ =	strace $0x8FFFFFFF  }
0x98: {  	s19 =	sld [smem:$0x3FDB];
	_ =	sdelay $0x1  }
0x99: {  	s4 =	simm.s32 $_scs_section_size  }
0x9a: {  	s5 =	simm.s32 $_size__tile_overlayer_lowered;
	s6 =	simm.s32 $_tile_overlayer_lowered  }
0x9b: {  	s22 =	simm.s32 $0x1BFF;
	s21 =	sshll.u32 s6, $0x1;
	s3 =	sadd.s32 s4, s19  }
0x9c: {  	s7 =	simm.s32 $0x0;
	s20 =	sshll.u32 s5, $0x1;
	s5 =	sadd.s32 s21, s3  }
0x9d: {  	[timem:s7], [sflag:s22] =	dma.local [hbm:s5], s20  }
0x9e: {  	_ =	swait.ge [sflag:s22], s20  }
0x9f: {  	s4 =	ssub.s32 $0x0, s20;
	[sflag:s22] =	ssyncset.done $0x0  }
0xa0: {  	[sflag:s22] =	ssyncadd.s32 s4;
	_ =	sdelay $0x1  }
0xa1: {  	s23 =	simm.s32 $0x1B8B  }
0xa2: {  	_ =	swait.ge [sflag:s23], $0x1  }
0xa3: {  	[sflag:s23] =	ssyncset.done $0x0  }
0xa4: {  	s25 =	simm.s32 $0x1B8E;
	s24 =	sld [smem:$0x3FFE];
	[sflag:s23] =	ssyncadd.s32 $0xFFFFFFFF  }
0xa5: {  	s26 =	simm.s32 $execute0_lowered;
	[smem:$0x3FD2] =	sst s25  }
0xa6: {  	s5 =	sshll.u32 s26, $0x1;
	_ =	strace $0x80000046;
	[dreg:$0x1] =	wrdreg $0xFFFFFFFF  }
0xa7: {  	s28 =	simm.s32 $_size_execute0_lowered;
	s3 =	sadd.s32 s3, s5;
	[dreg:$0x0] =	wrdreg $0x0  }
0xa8: {  	s5 =	sshll.u32 s28, $0x1;
	[dreg:$0x2] =	wrdreg s3  }
0xa9: {  	[dreg:$0x3] =	wrdreg s5  }
0xaa: {  	[dreg:$0x4] =	wrdreg $0xC0  }
0xab: {  	_ =	task [dreg:s7], $0x5FFFF  }
0xac: {  	[dreg:$0x1] =	wrdreg $0xFFFFFFFF  }
0xad: {  	[dreg:$0x0] =	wrdreg $0x60  }
0xae: {  	[dreg:$0x2] =	wrdreg s2  }
0xaf: {  	[dreg:$0x3] =	wrdreg s24  }
0xb0: {  	[dreg:$0x4] =	wrdreg $0x9A000  }
0xb1: {  	[dreg:$0x5] =	wrdreg $0x149C80  }
0xb2: {  	[dreg:$0x6] =	wrdreg $0x9  }
0xb3: {  	_ =	task.clear_ibuf [dreg:s7], $0x7FFFF;
	_ =	strace $0x90000046  }
0xb4: {  	s29 =	simm.s32 $0x9;
	_ =	strace $0x80000048  }
0xb5: {  	_ =	swait.ge [sflag:s29], $0x1  }
0xb6: {  	[sflag:s29] =	ssyncadd.s32 $0xFFFFFFFF  }
0xb7: {  	_ =	strace $0x90000048  }
0xb8: {  	_ =	sfence  }
0xb9: {  	s30 =	sld [smem:$0x0];
	_ =	sdelay $0x2  }
0xba: {  	s31 =	sshll.u32 s1, $0xD;
	s1 =	sshrl.u32 s1, $0x2  }
0xbb: {  	s3 =	sand.u32 $0x4000, s31;
	s1 =	sadd.s32 s1, s30  }
0xbc: {  	s0 =	sor.u32 s3, s0;
	s1 =	sshll.u32 s1, $0x11  }
0xbd: {  	s0 =	sor.u32 s1, s0  }
0xbe: {  	s0 =	sadd.s32 $0x8F2B, s0  }
0xbf: {  	[sflag:s0] =	ssyncadd.remote.s32 $0x1  }
0xc0: {  	_ =	sfence.sel $0xFFFF  }
0xc1: {  	[dreg:$0x0] =	wrdreg $0xFFFFFFFF;
	(pc) =	sbr.abs _section_cstart, $3  }
0xc2: {  	[dreg:$0x1] =	wrdreg $0xFFFFFFFF  }
0xc3: {  	_ =	task.clear_ibuf [dreg:s7], $0x2FFFF;
	_ =	strace $0x9FFFFFFF  }
0xc4: {  	(tm) =	ssettm $0x7FFFFFFF  }
0xc5: {  	_ =	shalt  }
tec
execute0_lowered:
.L_overlay_start_1:
0x0: {  	(tag) =	ssettag $0x1  }
0x1: {  	s0 =	rddreg [dreg:$0x0]  }
0x2: {  	s2 =	rddreg [dreg:$0x1]  }
0x3: {  	s1 =	rddreg [dreg:$0x2]  }
0x4: {  	s3 =	rddreg [dreg:$0x3];
	s4 =	simm.s32 $0x0;
	s12 =	stileid.u32  }
0x5: {  	s6 =	srdreg.scid;
	s29 =	simm.s32 $0x80;
	s5 =	smul.u32 $0x271, s12  }
0x6: {  	s31 =	simm.s32 $0x5;
	s30 =	simm.s32 $0x5100;
	s11 =	smul.u32 $0x2BF20, s12  }
0x7: {  	[smem:$0x7FF] =	sst s4;
	s6 =	sand.u32 $0x1, s6;
	s21 =	smul.u32 $0x2710, s12  }
0x8: {  	s18 =	sshll.u32 s12, $0x4;
	s22 =	smul.u32 $0xB400, s12;
	_ =	strace $0x80000047  }
0x9: {  	s7 =	smul.u32 $0x16800, s6;
	s9 =	sadd.s32 s18, s2;
	s10 =	ssub.s32 $0x2, s6  }
0xa: {  	p0 =	seq.s32 s6, $0x1;
	s8 =	sadd.s32 s5, s2;
	s5 =	sadd.s32 $0xE000, s2  }
0xb: {  	s19 =	sshrl.u32 s10, $0x1;
	s20 =	sshrl.u32 s11, $0x2;
	s9 =	sadd.s32 $0x4000, s9  }
0xc: {  	s21 =	sadd.s32 s0, s21;
	s12 =	sadd.s32 $0x2400, s22;
	s13 =	sadd.s32 $0x4800, s22  }
0xd: {  	s14 =	sadd.s32 $0x6C00, s22;
	s15 =	sshrl.u32 s22, $0x3;
	s2 =	sadd.s32 s7, s2  }
0xe: {  	s10 =	ssub.s32 s10, s19;
	[dreg:$0x5] =	wrdreg s9;
	s7 =	sadd.s32 s20, s1  }
0xf: {  	s8 =	sadd.s32 $0x1800, s8;
	s19 =	sadd.s32 $0x9000, s22;
	s16 =	sshrl.u32 s12, $0x3  }
0x10: {  	s17 =	sshrl.u32 s13, $0x3;
	s18 =	sshrl.u32 s14, $0x3;
	s28 =	sadd.s32 $0x9, s21  }
0x11: {  	s0 =	sadd.s32 $0x38, s7;
	[dreg:$0x6] =	wrdreg s8;
	s8 =	sadd.s32 $0x40, s7  }
0x12: {  	s9 =	sadd.s32 $0x2368, s7;
	s11 =	sadd.s32 $0x4690, s7;
	s2 =	sadd.s32 $0xE600, s2  }
0x13: {  	s20 =	sshrl.u32 s19, $0x3;
	s19 =	sadd.s32 s19, s3;
	s26 =	smax.u32 s10, $0x1  }
0x14: {  	[dreg:$0x13] =	wrdreg s28;
	s10 =	simm.s32 $0x1;
	s15 =	sadd.s32 s15, s2  }
0x15: {  	s23 =	sadd.s32 s16, s2;
	s24 =	sadd.s32 s17, s2;
	s25 =	sadd.s32 s18, s2  }
0x16: {  	s2 =	sadd.s32 s20, s2;
	s16 =	sadd.s32 s12, s3;
	[dreg:$0xc] =	wrdreg s26  }
0x17: {  	s17 =	sadd.s32 s13, s3;
	s18 =	sadd.s32 s14, s3;
	[dreg:$0x7] =	wrdreg s15  }
0x18: {  	s0 =	sshrl.u32 @p0 s0, $0x3;
	s6 =	sshrl.u32 @p0 s11, $0x3;
	[dreg:$0x8] =	wrdreg s23  }
0x19: {  	s26 =	smov.u32 s21;
	s11 =	simm.s32 $0x5000;
	[dreg:$0x9] =	wrdreg s24  }
0x1a: {  	s12 =	simm.s32 $0x5080;
	s13 =	simm.s32 $0x3;
	[dreg:$0xa] =	wrdreg s25  }
0x1b: {  	s14 =	simm.s32 $0x4;
	[dreg:$0xb] =	wrdreg s2;
	s2 =	sadd.s32 $0x69B8, s7  }
0x1c: {  	s15 =	sadd.s32 s22, s3;
	[dreg:$0xd] =	wrdreg s0;
	s0 =	sshrl.u32 @p0 s8, $0x3  }
0x1d: {  	[dreg:$0x10] =	wrdreg s6;
	s6 =	simm.s32 $0x5180;
	s8 =	simm.s32 $0x2  }
0x1e: {  	s25 =	stileid.u32;
	[dreg:$0xe] =	wrdreg s0;
	s0 =	sshrl.u32 @p0 s9, $0x3  }
0x1f: {  	s2 =	sshrl.u32 @p0 s2, $0x3;
	[dreg:$0xf] =	wrdreg s0;
	s0 =	sadd.s32 $0x8CE0, s7  }
0x20: {  	s9 =	simm.s32 $0x7600;
	[dreg:$0x11] =	wrdreg s2;
	s0 =	sshrl.u32 @p0 s0, $0x3  }
0x21: {  	s2 =	simm.s32 $0x0;
	[dreg:$0x12] =	wrdreg s0;
	s0 =	simm.s32 $0x5200  }
.LBB2_1:
0x22: {  	s20 =	rddreg [dreg:$0x5];
	s21 =	simm.s32 $0x800;
	s22 =	simm.s32 @p0 $0x1  }
0x23: {  	[tilespmem:s4], [sflag:$0x5] =	stream.strided.gather [hbm4b:s20+s29], $0x5000, s21, s29, $0x38;
	[tilespmem:$0x1FDC8] =	vst v63  }
0x24: {  	s23 =	simm.s32 @p0 $0x9;
	s24 =	simm.s32 @p0 $0x10;
	_ =	swait.ge [sflag:s31], $0x5000  }
0x25: {  	s20 =	sshll.u32 @p0 s25, $0x6;
	s21 =	sshrl.u32 @p0 s7, $0x3;
	[sflag:s31] =	ssyncset.done $0x0  }
0x26: {  	s20 =	sor.u32 @p0 $0x1C05, s20;
	s28 =	rddreg [dreg:$0x13];
	[sflag:s31] =	ssyncadd.s32 $0xFFFFB000  }
0x27: {  	[spmem:s21@s23], [sflag:s20] =	dma.strided @p0 [hbm:s28@s24], $0x1117, s22, $0x7   }
0x28: {  	s21 =	simm.s32 @p0 $0x5  }
0x29: {  	_ =	swait.ge @p0 [sflag:s21], $0x1117  }
0x2a: {  	[sflag:s21] =	ssyncset.done @p0 $0x0;
	s24 =	rddreg [dreg:$0x6]  }
0x2b: {  	s28 =	rddreg [dreg:$0xd];
	[sflag:s21] =	ssyncadd.s32 @p0 $0xFFFFEEE9  }
0x2c: {  	[spmem:s28@s23], [sflag:s20] =	dma.strided @p0 [hbm:s24@s22], $0x271, s22, $0x1   }
0x2d: {  	_ =	swait.ge @p0 [sflag:s21], $0x271  }
0x2e: {  	[sflag:s21] =	ssyncset.done @p0 $0x0  }
0x2f: {  	s24 =	rddreg [dreg:$0xe];
	[sflag:s21] =	ssyncadd.s32 @p0 $0xFFFFFD8F  }
0x30: {  	[spmem:s24@s23], [sflag:s20] =	dma.strided @p0 [hbm:s5@s23], $0x7D, s22, $0x1   }
0x31: {  	_ =	swait.ge @p0 [sflag:s21], $0x7D  }
0x32: {  	[sflag:s21] =	ssyncset.done @p0 $0x0  }
0x33: {  	s24 =	rddreg [dreg:$0xf];
	[sflag:s21] =	ssyncadd.s32 @p0 $0xFFFFFF83  }
0x34: {  	[spmem:s24@s23], [sflag:s20] =	dma.strided @p0 [hbm:s5@s23], $0x7D, s22, $0x1   }
0x35: {  	_ =	swait.ge @p0 [sflag:s21], $0x7D  }
0x36: {  	[sflag:s21] =	ssyncset.done @p0 $0x0  }
0x37: {  	s24 =	rddreg [dreg:$0x10];
	[sflag:s21] =	ssyncadd.s32 @p0 $0xFFFFFF83  }
0x38: {  	[spmem:s24@s23], [sflag:s20] =	dma.strided @p0 [hbm:s5@s23], $0x7D, s22, $0x1   }
0x39: {  	_ =	swait.ge @p0 [sflag:s21], $0x7D  }
0x3a: {  	[sflag:s21] =	ssyncset.done @p0 $0x0  }
0x3b: {  	s24 =	rddreg [dreg:$0x11];
	[sflag:s21] =	ssyncadd.s32 @p0 $0xFFFFFF83  }
0x3c: {  	[spmem:s24@s23], [sflag:s20] =	dma.strided @p0 [hbm:s5@s23], $0x7D, s22, $0x1   }
0x3d: {  	_ =	swait.ge @p0 [sflag:s21], $0x7D  }
0x3e: {  	[sflag:s21] =	ssyncset.done @p0 $0x0  }
0x3f: {  	s24 =	rddreg [dreg:$0x12];
	[sflag:s21] =	ssyncadd.s32 @p0 $0xFFFFFF83  }
0x40: {  	[spmem:s24@s23], [sflag:s20] =	dma.strided @p0 [hbm:s5@s23], $0x7D, s22, $0x1   }
0x41: {  	s20 =	sshll.u32 @!p0 s25, $0x6;
	s22 =	simm.s32 @!p0 $0x1;
	_ =	swait.ge @p0 [sflag:s21], $0x7D  }
0x42: {  	s23 =	simm.s32 @!p0 $0x9;
	s24 =	simm.s32 @!p0 $0x10;
	[sflag:s21] =	ssyncset.done @p0 $0x0  }
0x43: {  	s20 =	sor.u32 @!p0 $0x1C05, s20;
	[sflag:s21] =	ssyncadd.s32 @p0 $0xFFFFFF83;
	s21 =	sshrl.u32 @!p0 s7, $0x3  }
0x44: {  	[spmem:s21@s23], [sflag:s20] =	dma.strided @!p0 [hbm:s26@s24], $0x15F9, s22, $0x9   }
0x45: {  	s20 =	simm.s32 @!p0 $0x5  }
0x46: {  	_ =	swait.ge @!p0 [sflag:s20], $0x15F9  }
0x47: {  	[sflag:s20] =	ssyncset.done @!p0 $0x0  }
0x48: {  	[sflag:s20] =	ssyncadd.s32 @!p0 $0xFFFFEA07  }
0x49: {  	[tilespmem:s0], [sflag:$0x5] =	stream.linear.gather [hbm4b:s5+s4], $0x2400, $0x38;
	[tilespmem:$0x1FDC8] =	vst v63  }
0x4a: {  	_ =	swait.ge [sflag:s31], $0x2400  }
0x4b: {  	[sflag:s31] =	ssyncset.done $0x0  }
0x4c: {  	[sflag:s31] =	ssyncadd.s32 $0xFFFFDC00  }
0x4d: {  	[spmem:s15] =	stream.linear.scatter [tilespmem:s0], [sflag:$0x5], $0x2400, $0x38;
	[tilespmem:$0x1FDC8] =	vst v63  }
0x4e: {  	_ =	swait.ge [sflag:s31], $0x2400  }
0x4f: {  	[sflag:s31] =	ssyncset.done $0x0  }
0x50: {  	[sflag:s31] =	ssyncadd.s32 $0xFFFFDC00  }
0x51: {  	[spmem:s16] =	stream.linear.scatter [tilespmem:s0], [sflag:$0x5], $0x2400, $0x38;
	[tilespmem:$0x1FDC8] =	vst v63  }
0x52: {  	_ =	swait.ge [sflag:s31], $0x2400  }
0x53: {  	[sflag:s31] =	ssyncset.done $0x0  }
0x54: {  	[sflag:s31] =	ssyncadd.s32 $0xFFFFDC00  }
0x55: {  	[spmem:s17] =	stream.linear.scatter [tilespmem:s0], [sflag:$0x5], $0x2400, $0x38;
	[tilespmem:$0x1FDC8] =	vst v63  }
0x56: {  	_ =	swait.ge [sflag:s31], $0x2400  }
0x57: {  	[sflag:s31] =	ssyncset.done $0x0  }
0x58: {  	[sflag:s31] =	ssyncadd.s32 $0xFFFFDC00  }
0x59: {  	[spmem:s18] =	stream.linear.scatter [tilespmem:s0], [sflag:$0x5], $0x2400, $0x38;
	[tilespmem:$0x1FDC8] =	vst v63  }
0x5a: {  	_ =	swait.ge [sflag:s31], $0x2400  }
0x5b: {  	[sflag:s31] =	ssyncset.done $0x0  }
0x5c: {  	[sflag:s31] =	ssyncadd.s32 $0xFFFFDC00  }
0x5d: {  	[spmem:s19] =	stream.linear.scatter [tilespmem:s0], [sflag:$0x5], $0x2400, $0x38;
	[tilespmem:$0x1FDC8] =	vst v63  }
0x5e: {  	_ =	swait.ge [sflag:s31], $0x2400  }
0x5f: {  	[sflag:s31] =	ssyncset.done $0x0  }
0x60: {  	[sflag:s31] =	ssyncadd.s32 $0xFFFFDC00  }
0x61: {  	[bflag:$0x0] =	sbarrier.arrive $0xFFFF  }
0x62: {  	v0 =	vld [tilespmem:$0x0];
	_ =	sdelay $0x1  }
0x63: {  	v1 =	vld [tilespmem:$0x10];
	_ =	sdelay $0x1  }
0x64: {  	v2 =	vld [tilespmem:$0x20]  }
0x65: {  	v3 =	vshrl.u32 v0, $0x10  }
0x66: {  	v6 =	vld [tilespmem:$0x30];
	v0 =	vand.u32 $0xFFFF, v0;
	[tilespmem:$0x5000] =	vst v3  }
0x67: {  	v7 =	vshrl.u32 v1, $0x10;
	[tilespmem:$0x5100] =	vst v0  }
0x68: {  	v9 =	vld [tilespmem:$0x40];
	v8 =	vand.u32 $0xFFFF, v1;
	[tilespmem:$0x5010] =	vst v7  }
0x69: {  	v10 =	vshrl.u32 v2, $0x10;
	[tilespmem:$0x5110] =	vst v8  }
0x6a: {  	v12 =	vld [tilespmem:$0x50];
	v11 =	vand.u32 $0xFFFF, v2;
	[tilespmem:$0x5020] =	vst v10  }
0x6b: {  	v13 =	vshrl.u32 v6, $0x10;
	[tilespmem:$0x5120] =	vst v11  }
0x6c: {  	v15 =	vld [tilespmem:$0x60];
	v14 =	vand.u32 $0xFFFF, v6;
	[tilespmem:$0x5030] =	vst v13  }
0x6d: {  	v16 =	vshrl.u32 v9, $0x10;
	[tilespmem:$0x5130] =	vst v14  }
0x6e: {  	v18 =	vld [tilespmem:$0x70];
	v17 =	vand.u32 $0xFFFF, v9;
	[tilespmem:$0x5040] =	vst v16  }
0x6f: {  	v19 =	vshrl.u32 v12, $0x10;
	[tilespmem:$0x5140] =	vst v17  }
0x70: {  	v20 =	vand.u32 $0xFFFF, v12;
	[tilespmem:$0x5050] =	vst v19  }
0x71: {  	v21 =	vshrl.u32 v15, $0x10;
	[tilespmem:$0x5150] =	vst v20  }
0x72: {  	v22 =	vand.u32 $0xFFFF, v15;
	[tilespmem:$0x5060] =	vst v21  }
0x73: {  	v23 =	vshrl.u32 v18, $0x10;
	[tilespmem:$0x5160] =	vst v22  }
0x74: {  	v24 =	vand.u32 $0xFFFF, v18;
	[tilespmem:$0x5070] =	vst v23  }
0x75: {  	[tilespmem:$0x5170] =	vst v24  }
0x76: {  	[tilespmem:s0], [sflag:$0x1] =	stream.indirect.gather [spmem:s1], $0x48, s30, s29, $0xb8;
	[tilespmem:$0x1FDC8] =	vst v63  }
0x77: {  	v25 =	vld [tilespmem:$0x80];
	_ =	sdelay $0x1  }
0x78: {  	v26 =	vld [tilespmem:$0x90];
	_ =	sdelay $0x1  }
0x79: {  	v27 =	vld [tilespmem:$0xA0]  }
0x7a: {  	v28 =	vshrl.u32 v25, $0x10  }
0x7b: {  	v29 =	vld [tilespmem:$0xB0];
	v0 =	vand.u32 $0xFFFF, v25;
	[tilespmem:$0x5080] =	vst v28  }
0x7c: {  	v30 =	vshrl.u32 v26, $0x10;
	[tilespmem:$0x5180] =	vst v0  }
0x7d: {  	v32 =	vld [tilespmem:$0xC0];
	v31 =	vand.u32 $0xFFFF, v26;
	[tilespmem:$0x5090] =	vst v30  }
0x7e: {  	v33 =	vshrl.u32 v27, $0x10;
	[tilespmem:$0x5190] =	vst v31  }
0x7f: {  	v35 =	vld [tilespmem:$0xD0];
	v34 =	vand.u32 $0xFFFF, v27;
	[tilespmem:$0x50A0] =	vst v33  }
0x80: {  	v36 =	vshrl.u32 v29, $0x10;
	[tilespmem:$0x51A0] =	vst v34  }
0x81: {  	v38 =	vld [tilespmem:$0xE0];
	v37 =	vand.u32 $0xFFFF, v29;
	[tilespmem:$0x50B0] =	vst v36  }
0x82: {  	v39 =	vshrl.u32 v32, $0x10;
	[tilespmem:$0x51B0] =	vst v37  }
0x83: {  	v41 =	vld [tilespmem:$0xF0];
	v40 =	vand.u32 $0xFFFF, v32;
	[tilespmem:$0x50C0] =	vst v39  }
0x84: {  	v42 =	vshrl.u32 v35, $0x10;
	[tilespmem:$0x51C0] =	vst v40  }
0x85: {  	v43 =	vand.u32 $0xFFFF, v35;
	[tilespmem:$0x50D0] =	vst v42  }
0x86: {  	v44 =	vshrl.u32 v38, $0x10;
	[tilespmem:$0x51D0] =	vst v43  }
0x87: {  	v45 =	vand.u32 $0xFFFF, v38;
	[tilespmem:$0x50E0] =	vst v44  }
0x88: {  	v46 =	vshrl.u32 v41, $0x10;
	[tilespmem:$0x51E0] =	vst v45  }
0x89: {  	v47 =	vand.u32 $0xFFFF, v41;
	[tilespmem:$0x50F0] =	vst v46  }
0x8a: {  	[tilespmem:$0x51F0] =	vst v47  }
0x8b: {  	[tilespmem:s9], [sflag:$0x2] =	stream.indirect.gather [spmem:s1], $0x48, s6, s29, $0xb8;
	[tilespmem:$0x1FDC8] =	vst v63  }
0x8c: {  	_ =	swait.ge [sflag:s10], $0x2400  }
0x8d: {  	[sflag:s10] =	ssyncset.done $0x0  }
0x8e: {  	[sflag:s10] =	ssyncadd.s32 $0xFFFFDC00  }
0x8f: {  	[spmem:s3] =	stream.indirect.scatter.add.f32 [tilespmem:s0], [sflag:$0x3], $0x48, s11, s29, $0xb8;
	[tilespmem:$0x1FDC8] =	vst v63  }
0x90: {  	_ =	swait.ge [sflag:s8], $0x2400  }
0x91: {  	[sflag:s8] =	ssyncset.done $0x0  }
0x92: {  	[sflag:s8] =	ssyncadd.s32 $0xFFFFDC00  }
0x93: {  	[spmem:s3] =	stream.indirect.scatter.add.f32 [tilespmem:s9], [sflag:$0x4], $0x48, s12, s29, $0xb8;
	[tilespmem:$0x1FDC8] =	vst v63  }
0x94: {  	_ =	swait.ge [sflag:s13], $0x2400  }
0x95: {  	[sflag:s13] =	ssyncset.done $0x0  }
0x96: {  	s20 =	simm.s32 $0x1F0;
	[sflag:s13] =	ssyncadd.s32 $0xFFFFDC00  }
0x97: {  	v48 =	vld [tilespmem:s20+$0xFFFFFF10];
	_ =	sdelay $0x4  }
0x98: {  	v49 =	vshrl.u32 v48, $0x10  }
0x99: {  	v0 =	vand.u32 $0xFFFF, v48;
	[tilespmem:$0x5000] =	vst v49  }
0x9a: {  	[tilespmem:$0x5100] =	vst v0  }
0x9b: {  	v0 =	vld [tilespmem:s20+$0xFFFFFF20];
	_ =	sdelay $0x4  }
0x9c: {  	v50 =	vshrl.u32 v0, $0x10  }
0x9d: {  	v0 =	vand.u32 $0xFFFF, v0;
	[tilespmem:$0x5010] =	vst v50  }
0x9e: {  	[tilespmem:$0x5110] =	vst v0  }
0x9f: {  	v0 =	vld [tilespmem:s20+$0xFFFFFF30];
	_ =	sdelay $0x4  }
0xa0: {  	v51 =	vshrl.u32 v0, $0x10  }
0xa1: {  	v0 =	vand.u32 $0xFFFF, v0;
	[tilespmem:$0x5020] =	vst v51  }
0xa2: {  	[tilespmem:$0x5120] =	vst v0  }
0xa3: {  	v0 =	vld [tilespmem:s20+$0xFFFFFF40];
	_ =	sdelay $0x4  }
0xa4: {  	v52 =	vshrl.u32 v0, $0x10  }
0xa5: {  	v0 =	vand.u32 $0xFFFF, v0;
	[tilespmem:$0x5030] =	vst v52  }
0xa6: {  	[tilespmem:$0x5130] =	vst v0  }
0xa7: {  	v0 =	vld [tilespmem:s20+$0xFFFFFF50];
	_ =	sdelay $0x4  }
0xa8: {  	v53 =	vshrl.u32 v0, $0x10  }
0xa9: {  	v0 =	vand.u32 $0xFFFF, v0;
	[tilespmem:$0x5040] =	vst v53  }
0xaa: {  	[tilespmem:$0x5140] =	vst v0  }
0xab: {  	v0 =	vld [tilespmem:s20+$0xFFFFFF60];
	_ =	sdelay $0x4  }
0xac: {  	v54 =	vshrl.u32 v0, $0x10  }
0xad: {  	v0 =	vand.u32 $0xFFFF, v0;
	[tilespmem:$0x5050] =	vst v54  }
0xae: {  	[tilespmem:$0x5150] =	vst v0  }
0xaf: {  	v0 =	vld [tilespmem:s20+$0xFFFFFF70];
	_ =	sdelay $0x4  }
0xb0: {  	v55 =	vshrl.u32 v0, $0x10  }
0xb1: {  	v0 =	vand.u32 $0xFFFF, v0;
	[tilespmem:$0x5060] =	vst v55  }
0xb2: {  	[tilespmem:$0x5160] =	vst v0  }
0xb3: {  	v0 =	vld [tilespmem:s20+$0xFFFFFF80];
	_ =	sdelay $0x4  }
0xb4: {  	v56 =	vshrl.u32 v0, $0x10  }
0xb5: {  	v0 =	vand.u32 $0xFFFF, v0;
	[tilespmem:$0x5070] =	vst v56  }
0xb6: {  	[tilespmem:$0x5170] =	vst v0  }
0xb7: {  	[tilespmem:s0], [sflag:$0x1] =	stream.indirect.gather [spmem:s1], $0x48, s30, s29, $0xb8;
	[tilespmem:$0x1FDC8] =	vst v63  }
0xb8: {  	_ =	swait.ge [sflag:s14], $0x2400  }
0xb9: {  	[sflag:s14] =	ssyncset.done $0x0  }
0xba: {  	[sflag:s14] =	ssyncadd.s32 $0xFFFFDC00  }
0xbb: {  	v57 =	vld [tilespmem:s20+$0xFFFFFF90];
	_ =	sdelay $0x4  }
0xbc: {  	v58 =	vshrl.u32 v57, $0x10  }
0xbd: {  	v0 =	vand.u32 $0xFFFF, v57;
	[tilespmem:$0x5080] =	vst v58  }
0xbe: {  	[tilespmem:$0x5180] =	vst v0  }
0xbf: {  	v0 =	vld [tilespmem:s20+$0xFFFFFFA0];
	_ =	sdelay $0x4  }
0xc0: {  	v59 =	vshrl.u32 v0, $0x10  }
0xc1: {  	v0 =	vand.u32 $0xFFFF, v0;
	[tilespmem:$0x5090] =	vst v59  }
0xc2: {  	[tilespmem:$0x5190] =	vst v0  }
0xc3: {  	v0 =	vld [tilespmem:s20+$0xFFFFFFB0];
	_ =	sdelay $0x4  }
0xc4: {  	v60 =	vshrl.u32 v0, $0x10  }
0xc5: {  	v0 =	vand.u32 $0xFFFF, v0;
	[tilespmem:$0x50A0] =	vst v60  }
0xc6: {  	[tilespmem:$0x51A0] =	vst v0  }
0xc7: {  	v0 =	vld [tilespmem:s20+$0xFFFFFFC0];
	_ =	sdelay $0x4  }
0xc8: {  	v61 =	vshrl.u32 v0, $0x10  }
0xc9: {  	v0 =	vand.u32 $0xFFFF, v0;
	[tilespmem:$0x50B0] =	vst v61  }
0xca: {  	[tilespmem:$0x51B0] =	vst v0  }
0xcb: {  	v0 =	vld [tilespmem:s20+$0xFFFFFFD0];
	_ =	sdelay $0x4  }
0xcc: {  	v62 =	vshrl.u32 v0, $0x10  }
0xcd: {  	v0 =	vand.u32 $0xFFFF, v0;
	[tilespmem:$0x50C0] =	vst v62  }
0xce: {  	[tilespmem:$0x51C0] =	vst v0  }
0xcf: {  	v0 =	vld [tilespmem:s20+$0xFFFFFFE0];
	_ =	sdelay $0x4  }
0xd0: {  	v63 =	vshrl.u32 v0, $0x10  }
0xd1: {  	v0 =	vand.u32 $0xFFFF, v0;
	[tilespmem:$0x50D0] =	vst v63  }
0xd2: {  	s21 =	simm.s32 $0xBC0;
	[tilespmem:$0x51D0] =	vst v0  }
.LBB2_2:
0xd3: {  	p1 =	sne.s32 s21, $0x13FC0;
	v0 =	vld [tilespmem:s20+$0xFFFFFFF0];
	s22 =	smov.u32 s21;
	s21 =	sadd.s32 $0x400, s21  }
0xd4: {  	_ =	sdelay $0x3  }
0xd5: {  	v1 =	vshrl.u32 v0, $0x10;
	v0 =	vand.u32 $0xFFFF, v0  }
0xd6: {  	[tilespmem:$0x50E0] =	vst v1  }
0xd7: {  	[tilespmem:$0x51E0] =	vst v0  }
0xd8: {  	v0 =	vld [tilespmem:s20+$0x0];
	_ =	sdelay $0x4  }
0xd9: {  	v1 =	vshrl.u32 v0, $0x10;
	v0 =	vand.u32 $0xFFFF, v0  }
0xda: {  	[tilespmem:$0x50F0] =	vst v1  }
0xdb: {  	[tilespmem:$0x51F0] =	vst v0  }
0xdc: {  	[tilespmem:s9], [sflag:$0x2] =	stream.indirect.gather [spmem:s1], $0x48, s6, s29, $0xb8;
	[tilespmem:$0x1FDC8] =	vst v63  }
0xdd: {  	_ =	swait.ge [sflag:s10], $0x2400  }
0xde: {  	[sflag:s10] =	ssyncset.done $0x0  }
0xdf: {  	[sflag:s10] =	ssyncadd.s32 $0xFFFFDC00  }
0xe0: {  	[spmem:s3] =	stream.indirect.scatter.add.f32 [tilespmem:s0], [sflag:$0x3], $0x48, s11, s29, $0xb8;
	[tilespmem:$0x1FDC8] =	vst v63  }
0xe1: {  	_ =	swait.ge [sflag:s8], $0x2400  }
0xe2: {  	[sflag:s8] =	ssyncset.done $0x0  }
0xe3: {  	[sflag:s8] =	ssyncadd.s32 $0xFFFFDC00  }
0xe4: {  	[spmem:s3] =	stream.indirect.scatter.add.f32 [tilespmem:s9], [sflag:$0x4], $0x48, s12, s29, $0xb8;
	[tilespmem:$0x1FDC8] =	vst v63  }
0xe5: {  	_ =	swait.ge [sflag:s13], $0x2400  }
0xe6: {  	[sflag:s13] =	ssyncset.done $0x0  }
0xe7: {  	s20 =	sshra.s32 s22, $0x2;
	[sflag:s13] =	ssyncadd.s32 $0xFFFFDC00  }
0xe8: {  	v0 =	vld [tilespmem:s20+$0xFFFFFF10];
	_ =	sdelay $0x4  }
0xe9: {  	v1 =	vshrl.u32 v0, $0x10;
	v0 =	vand.u32 $0xFFFF, v0  }
0xea: {  	[tilespmem:$0x5000] =	vst v1  }
0xeb: {  	[tilespmem:$0x5100] =	vst v0  }
0xec: {  	v0 =	vld [tilespmem:s20+$0xFFFFFF20];
	_ =	sdelay $0x4  }
0xed: {  	v1 =	vshrl.u32 v0, $0x10;
	v0 =	vand.u32 $0xFFFF, v0  }
0xee: {  	[tilespmem:$0x5010] =	vst v1  }
0xef: {  	[tilespmem:$0x5110] =	vst v0  }
0xf0: {  	v0 =	vld [tilespmem:s20+$0xFFFFFF30];
	_ =	sdelay $0x4  }
0xf1: {  	v1 =	vshrl.u32 v0, $0x10;
	v0 =	vand.u32 $0xFFFF, v0  }
0xf2: {  	[tilespmem:$0x5020] =	vst v1  }
0xf3: {  	[tilespmem:$0x5120] =	vst v0  }
0xf4: {  	v0 =	vld [tilespmem:s20+$0xFFFFFF40];
	_ =	sdelay $0x4  }
0xf5: {  	v1 =	vshrl.u32 v0, $0x10;
	v0 =	vand.u32 $0xFFFF, v0  }
0xf6: {  	[tilespmem:$0x5030] =	vst v1  }
0xf7: {  	[tilespmem:$0x5130] =	vst v0  }
0xf8: {  	v0 =	vld [tilespmem:s20+$0xFFFFFF50];
	_ =	sdelay $0x4  }
0xf9: {  	v1 =	vshrl.u32 v0, $0x10;
	v0 =	vand.u32 $0xFFFF, v0  }
0xfa: {  	[tilespmem:$0x5040] =	vst v1  }
0xfb: {  	[tilespmem:$0x5140] =	vst v0  }
0xfc: {  	v0 =	vld [tilespmem:s20+$0xFFFFFF60];
	_ =	sdelay $0x4  }
0xfd: {  	v1 =	vshrl.u32 v0, $0x10;
	v0 =	vand.u32 $0xFFFF, v0  }
0xfe: {  	[tilespmem:$0x5050] =	vst v1  }
0xff: {  	[tilespmem:$0x5150] =	vst v0  }
0x100: {  	v0 =	vld [tilespmem:s20+$0xFFFFFF70];
	_ =	sdelay $0x4  }
0x101: {  	v1 =	vshrl.u32 v0, $0x10;
	v0 =	vand.u32 $0xFFFF, v0  }
0x102: {  	[tilespmem:$0x5060] =	vst v1  }
0x103: {  	[tilespmem:$0x5160] =	vst v0  }
0x104: {  	v0 =	vld [tilespmem:s20+$0xFFFFFF80];
	_ =	sdelay $0x4  }
0x105: {  	v1 =	vshrl.u32 v0, $0x10;
	v0 =	vand.u32 $0xFFFF, v0  }
0x106: {  	[tilespmem:$0x5070] =	vst v1  }
0x107: {  	[tilespmem:$0x5170] =	vst v0  }
0x108: {  	[tilespmem:s0], [sflag:$0x1] =	stream.indirect.gather [spmem:s1], $0x48, s30, s29, $0xb8;
	[tilespmem:$0x1FDC8] =	vst v63  }
0x109: {  	_ =	swait.ge [sflag:s14], $0x2400  }
0x10a: {  	[sflag:s14] =	ssyncset.done $0x0  }
0x10b: {  	[sflag:s14] =	ssyncadd.s32 $0xFFFFDC00  }
0x10c: {  	v0 =	vld [tilespmem:s20+$0xFFFFFF90];
	_ =	sdelay $0x4  }
0x10d: {  	v1 =	vshrl.u32 v0, $0x10;
	v0 =	vand.u32 $0xFFFF, v0  }
0x10e: {  	[tilespmem:$0x5080] =	vst v1  }
0x10f: {  	[tilespmem:$0x5180] =	vst v0  }
0x110: {  	v0 =	vld [tilespmem:s20+$0xFFFFFFA0];
	_ =	sdelay $0x4  }
0x111: {  	v1 =	vshrl.u32 v0, $0x10;
	v0 =	vand.u32 $0xFFFF, v0  }
0x112: {  	[tilespmem:$0x5090] =	vst v1  }
0x113: {  	[tilespmem:$0x5190] =	vst v0  }
0x114: {  	v0 =	vld [tilespmem:s20+$0xFFFFFFB0];
	_ =	sdelay $0x4  }
0x115: {  	v1 =	vshrl.u32 v0, $0x10;
	v0 =	vand.u32 $0xFFFF, v0  }
0x116: {  	[tilespmem:$0x50A0] =	vst v1  }
0x117: {  	[tilespmem:$0x51A0] =	vst v0  }
0x118: {  	v0 =	vld [tilespmem:s20+$0xFFFFFFC0];
	_ =	sdelay $0x4  }
0x119: {  	v1 =	vshrl.u32 v0, $0x10;
	v0 =	vand.u32 $0xFFFF, v0  }
0x11a: {  	[tilespmem:$0x50B0] =	vst v1  }
0x11b: {  	[tilespmem:$0x51B0] =	vst v0  }
0x11c: {  	v0 =	vld [tilespmem:s20+$0xFFFFFFD0];
	_ =	sdelay $0x4  }
0x11d: {  	v1 =	vshrl.u32 v0, $0x10;
	v0 =	vand.u32 $0xFFFF, v0  }
0x11e: {  	[tilespmem:$0x50C0] =	vst v1  }
0x11f: {  	[tilespmem:$0x51C0] =	vst v0  }
0x120: {  	v0 =	vld [tilespmem:s20+$0xFFFFFFE0];
	_ =	sdelay $0x2  }
.Ltmp0:
0x121: {  	(pc) =	sbr.rel @p1 .LBB2_2-.Ltmp0, $4  }
0x122: {  	_ = 	snop  }
0x123: {  	v1 =	vshrl.u32 v0, $0x10;
	v0 =	vand.u32 $0xFFFF, v0  }
0x124: {  	[tilespmem:$0x50D0] =	vst v1  }
0x125: {  	[tilespmem:$0x51D0] =	vst v0  }
0x126: {  	v0 =	vld [tilespmem:s20+$0xFFFFFFF0];
	_ =	sdelay $0x4  }
0x127: {  	v1 =	vshrl.u32 v0, $0x10  }
0x128: {  	v0 =	vand.u32 $0xFFFF, v0;
	[tilespmem:$0x50E0] =	vst v1  }
0x129: {  	[tilespmem:$0x51E0] =	vst v0  }
0x12a: {  	v0 =	vld [tilespmem:s20+$0x0];
	_ =	sdelay $0x4  }
0x12b: {  	v63 =	vshrl.u32 v0, $0x10  }
0x12c: {  	v0 =	vand.u32 $0xFFFF, v0;
	[tilespmem:$0x50F0] =	vst v63  }
0x12d: {  	[tilespmem:$0x51F0] =	vst v0  }
0x12e: {  	[tilespmem:s9], [sflag:$0x2] =	stream.indirect.gather [spmem:s1], $0x48, s6, s29, $0xb8;
	[tilespmem:$0x1FDC8] =	vst v63  }
0x12f: {  	_ =	swait.ge [sflag:s10], $0x2400  }
0x130: {  	[sflag:s10] =	ssyncset.done $0x0  }
0x131: {  	[sflag:s10] =	ssyncadd.s32 $0xFFFFDC00  }
0x132: {  	[spmem:s3] =	stream.indirect.scatter.add.f32 [tilespmem:s0], [sflag:$0x3], $0x48, s11, s29, $0xb8;
	[tilespmem:$0x1FDC8] =	vst v63  }
0x133: {  	_ =	swait.ge [sflag:s8], $0x2400  }
0x134: {  	[sflag:s8] =	ssyncset.done $0x0  }
0x135: {  	[sflag:s8] =	ssyncadd.s32 $0xFFFFDC00  }
0x136: {  	[spmem:s3] =	stream.indirect.scatter.add.f32 [tilespmem:s9], [sflag:$0x4], $0x48, s12, s29, $0xb8;
	[tilespmem:$0x1FDC8] =	vst v63  }
0x137: {  	_ =	swait.ge [sflag:s13], $0x2400  }
0x138: {  	[sflag:s13] =	ssyncset.done $0x0  }
0x139: {  	[sflag:s13] =	ssyncadd.s32 $0xFFFFDC00  }
0x13a: {  	_ =	swait.ge [sflag:s14], $0x2400  }
0x13b: {  	[sflag:s14] =	ssyncset.done $0x0  }
0x13c: {  	[sflag:s14] =	ssyncadd.s32 $0xFFFFDC00  }
0x13d: {  	[bflag:$0x0] =	sbarrier.arrive $0xFFFF  }
0x13e: {  	[tilespmem:s0], [sflag:$0x1] =	stream.linear.gather [spmem:s15], $0x2400, $0x38;
	[tilespmem:$0x1FDC8] =	vst v63  }
0x13f: {  	_ = 	snop  }
0x140: {  	[tilespmem:s9], [sflag:$0x2] =	stream.linear.gather [spmem:s16], $0x2400, $0x38;
	[tilespmem:$0x1FDC8] =	vst v63  }
0x141: {  	_ =	swait.ge [sflag:s10], $0x2400  }
0x142: {  	[sflag:s10] =	ssyncset.done $0x0  }
0x143: {  	s28 =	rddreg [dreg:$0x7];
	[sflag:s10] =	ssyncadd.s32 $0xFFFFDC00  }
0x144: {  	[hbm4b:s28+s4] =	stream.linear.scatter [tilespmem:s0], [sflag:$0x3], $0x2400, $0x38;
	[tilespmem:$0x1FDC8] =	vst v63  }
0x145: {  	_ =	swait.ge [sflag:s13], $0x2400  }
0x146: {  	[sflag:s13] =	ssyncset.done $0x0  }
0x147: {  	[sflag:s13] =	ssyncadd.s32 $0xFFFFDC00  }
0x148: {  	[tilespmem:s0], [sflag:$0x1] =	stream.linear.gather [spmem:s17], $0x2400, $0x38;
	[tilespmem:$0x1FDC8] =	vst v63  }
0x149: {  	_ =	swait.ge [sflag:s8], $0x2400  }
0x14a: {  	[sflag:s8] =	ssyncset.done $0x0  }
0x14b: {  	s21 =	rddreg [dreg:$0x8];
	[sflag:s8] =	ssyncadd.s32 $0xFFFFDC00  }
0x14c: {  	[hbm4b:s21+s4] =	stream.linear.scatter [tilespmem:s9], [sflag:$0x4], $0x2400, $0x38;
	[tilespmem:$0x1FDC8] =	vst v63  }
0x14d: {  	_ =	swait.ge [sflag:s14], $0x2400  }
0x14e: {  	[sflag:s14] =	ssyncset.done $0x0  }
0x14f: {  	[sflag:s14] =	ssyncadd.s32 $0xFFFFDC00  }
0x150: {  	[tilespmem:s9], [sflag:$0x2] =	stream.linear.gather [spmem:s18], $0x2400, $0x38;
	[tilespmem:$0x1FDC8] =	vst v63  }
0x151: {  	_ =	swait.ge [sflag:s10], $0x2400  }
0x152: {  	[sflag:s10] =	ssyncset.done $0x0  }
0x153: {  	s22 =	rddreg [dreg:$0x9];
	[sflag:s10] =	ssyncadd.s32 $0xFFFFDC00  }
0x154: {  	[hbm4b:s22+s4] =	stream.linear.scatter [tilespmem:s0], [sflag:$0x3], $0x2400, $0x38;
	[tilespmem:$0x1FDC8] =	vst v63  }
0x155: {  	_ =	swait.ge [sflag:s13], $0x2400  }
0x156: {  	[sflag:s13] =	ssyncset.done $0x0  }
0x157: {  	[sflag:s13] =	ssyncadd.s32 $0xFFFFDC00  }
0x158: {  	[tilespmem:s0], [sflag:$0x1] =	stream.linear.gather [spmem:s19], $0x2400, $0x38;
	[tilespmem:$0x1FDC8] =	vst v63  }
0x159: {  	_ =	swait.ge [sflag:s8], $0x2400  }
0x15a: {  	[sflag:s8] =	ssyncset.done $0x0  }
0x15b: {  	s23 =	rddreg [dreg:$0xa];
	[sflag:s8] =	ssyncadd.s32 $0xFFFFDC00  }
0x15c: {  	[hbm4b:s23+s4] =	stream.linear.scatter [tilespmem:s9], [sflag:$0x4], $0x2400, $0x38;
	[tilespmem:$0x1FDC8] =	vst v63  }
0x15d: {  	_ =	swait.ge [sflag:s10], $0x2400  }
0x15e: {  	[sflag:s10] =	ssyncset.done $0x0  }
0x15f: {  	s24 =	rddreg [dreg:$0xb];
	[sflag:s10] =	ssyncadd.s32 $0xFFFFDC00  }
0x160: {  	[hbm4b:s24+s4] =	stream.linear.scatter [tilespmem:s0], [sflag:$0x3], $0x2400, $0x38;
	[tilespmem:$0x1FDC8] =	vst v63  }
0x161: {  	_ =	swait.ge [sflag:s14], $0x2400  }
0x162: {  	[sflag:s14] =	ssyncset.done $0x0  }
0x163: {  	[sflag:s14] =	ssyncadd.s32 $0xFFFFDC00  }
0x164: {  	_ =	swait.ge [sflag:s13], $0x2400  }
0x165: {  	s2 =	sadd.s32 $0x1, s2;
	s28 =	rddreg [dreg:$0xc]  }
0x166: {  	p1 =	sne.s32 s2, s28  }
.Ltmp1:
0x167: {  	_ = 	snop;
	(pc) =	sbr.rel @p1 .LBB2_1-.Ltmp1, $3  }
0x168: {  	_ =	sdelay $0x1  }
0x169: {  	[sflag:s13] =	ssyncset.done $0x0  }
0x16a: {  	[sflag:s13] =	ssyncadd.s32 $0xFFFFDC00  }
0x16b: {  	_ =	sfence.sel $0x180000  }
0x16c: {  	[bflag:$0x0] =	sbarrier.arrive $0xFFFF  }
0x16d: {  	_ =	strace $0x90000047  }
0x16e: {  	s0 =	stileid.u32;
	[bflag:$0x2] =	sbarrier.arrive $0xFFFF  }
0x16f: {  	p0 =	sne.s32 s0, $0x0;
	s0 =	rddreg [dreg:$0x4]  }
0x170: {  	s0 =	sadd.s32 @!p0 $0x100000, s0  }
0x171: {  	[sflag:s0] =	ssyncadd.tile.s32 @!p0 $0x1;
	_ =	shalt  }
.Lfunc_end2:
_tile_overlayer_lowered:
.L_overlay_start_2:
0x172: {  	(tag) =	ssettag $0x2  }
0x173: {  	s0 =	rddreg [dreg:$0x0];
	s2 =	stileid.u32  }
0x174: {  	s1 =	rddreg [dreg:$0x1];
	p0 =	sne.s32 s2, $0x0  }
0x175: {  	s3 =	rddreg [dreg:$0x2];
	[bflag:$0x3] =	sbarrier.arrive $0xFFFF;
	s2 =	simm.s32 @!p0 $0x1C05  }
0x176: {  	[timem:s3], [sflag:s2] =	dma.local @!p0 [hbm:s0], s1  }
0x177: {  	s0 =	simm.s32 @!p0 $0x5  }
0x178: {  	_ =	swait.ge @!p0 [sflag:s0], s1  }
0x179: {  	s1 =	ssub.s32 @!p0 $0x0, s1;
	[sflag:s0] =	ssyncset.done @!p0 $0x0  }
0x17a: {  	[sflag:s0] =	ssyncadd.s32 @!p0 s1  }
0x17b: {  	[bflag:$0x3] =	sbarrier.arrive $0xFFFF  }
0x17c: {  	_ =	shalt  }

</sc_bundles>
